<compile_context>
chip_gen: v7x
topology: tpu7x:2x2x1
jax: 0.10.2.dev20260603
libtpu: 0.0.44.dev20260713+nightly
codegen_flags: <defaults>
</compile_context>

<pallas_src>
import jax
import jax.numpy as jnp
from jax import lax
from jax.experimental import pallas as pl
from jax.experimental.pallas import tpu as pltpu
from jax.experimental.pallas import tpu_sc as plsc
from jax._src.pallas import mpmd as pl_mpmd

N_NODES = 100000
D = 64
DP = 128
N_CELLS = 1024
B = 16384


TB = 1024
N_TILES = B // TB
MEMB = 6400


def _tc_body(emb_ref, cent_ref, times_ref, mem_ref, upd_ref, memc_ref):
  emb = emb_ref[...].T
  cent = cent_ref[...].T
  e2 = jnp.sum(emb * emb, axis=1, keepdims=True)
  c2 = jnp.sum(cent * cent, axis=1)[None, :]
  dot = jax.lax.dot_general(
      emb, cent, (((1,), (1,)), ((), ())),
      preferred_element_type=jnp.float32)
  d2 = e2 - 2.0 * dot + c2
  minval = jnp.min(d2, axis=1, keepdims=True)
  iota = lax.broadcasted_iota(jnp.int32, (TB, N_CELLS), 1)
  idx = jnp.min(jnp.where(d2 == minval, iota, N_CELLS), axis=1)
  onehot = (iota == idx[:, None]).astype(jnp.float32)
  gathered = jax.lax.dot_general(
      onehot, cent, (((1,), (0,)), ((), ())),
      preferred_element_type=jnp.float32)
  t = times_ref[0, 0, :]
  w = jax.nn.sigmoid(t)[:, None]
  upd = w * emb + (1.0 - w) * gathered
  zpad = jnp.zeros((TB, DP - D), jnp.float32)
  upd_ref[...] = jnp.concatenate([upd, zpad], axis=1)
  memc_ref[...] = jnp.concatenate(
      [mem_ref[...].T, jnp.zeros((MEMB, DP - D), jnp.float32)], axis=1)


def _tc_stage(embeddings, map_centers, times, mem):
  times3 = times.reshape(N_TILES, 1, TB)
  return pl.pallas_call(
      _tc_body,
      grid=(N_TILES,),
      in_specs=[
          pl.BlockSpec((D, TB), lambda i: (0, i)),
          pl.BlockSpec((D, N_CELLS), lambda i: (0, 0)),
          pl.BlockSpec((1, 1, TB), lambda i: (i, 0, 0)),
          pl.BlockSpec((D, MEMB), lambda i: (0, i)),
      ],
      out_specs=[
          pl.BlockSpec((TB, DP), lambda i: (i, 0)),
          pl.BlockSpec((MEMB, DP), lambda i: (i, 0)),
      ],
      out_shape=[
          jax.ShapeDtypeStruct((B, DP), jnp.float32),
          jax.ShapeDtypeStruct((N_NODES, DP), jnp.float32),
      ],
  )(embeddings.T, map_centers.T, times3, mem.T)



NC = 2
NS = 16
NW = NC * NS
RANGE = 3128
TPAD = ((RANGE + 15) // 16) * 16
CHUNK = 128
NCHUNKS = (RANGE + CHUNK - 1) // CHUNK
IDV = B // 16


def _sc_body(mem_hbm, ids_hbm, upd_hbm, out_hbm,
             ids_v, table_v, wb_v, wn_v, rows_v, sem, gsem, ssem):
  wid = lax.axis_index("s") * NC + lax.axis_index("c")
  base = wid * RANGE

  pltpu.sync_copy(ids_hbm, ids_v)

  lanes = lax.iota(jnp.int32, 16)

  def init_body(k, _):
    table_v[pl.ds(k * 16, 16)] = jnp.full((16,), -1, jnp.int32)
    return 0
  lax.fori_loop(0, TPAD // 16, init_body, 0)

  def scan_body(i, _):
    ids16 = ids_v[pl.ds(i * 16, 16)]
    local = ids16 - base
    msk = (local >= 0) & (local < RANGE)
    ivec = lanes + i * 16
    plsc.store_scatter(table_v, [local], ivec, mask=msk)
    return 0
  lax.fori_loop(0, IDV, scan_body, 0, unroll=4)
  plsc.subcore_barrier()

  def compact_body(k, cnt):
    ent = table_v[pl.ds(k * 16, 16)]
    m = ent >= 0
    pos = cnt + plsc.cumsum(m.astype(jnp.int32)) - 1
    node = lanes + (k * 16 + base)
    plsc.store_scatter(wb_v, [pos // CHUNK, pos % CHUNK], ent, mask=m)
    plsc.store_scatter(wn_v, [pos // CHUNK, pos % CHUNK], node, mask=m)
    return cnt + jnp.sum(m.astype(jnp.int32))
  m_w = lax.fori_loop(0, TPAD // 16, compact_body, 0)
  plsc.subcore_barrier()

  n_chunks = (m_w + CHUNK - 1) // CHUNK

  @pl.when(m_w > 0)
  def _do_pad():
    wb16 = wb_v[0, pl.ds(0, 16)]
    wn16 = wn_v[0, pl.ds(0, 16)]
    sel0 = (lanes == 0).astype(jnp.int32)
    wb0 = jnp.sum(wb16 * sel0)
    wn0 = jnp.sum(wn16 * sel0)
    padded = n_chunks * CHUNK

    def pad_body(j, _):
      pos = m_w + j * 16 + lanes
      pm = pos < padded
      plsc.store_scatter(wb_v, [pos // CHUNK, pos % CHUNK],
                         jnp.full((16,), 0, jnp.int32) + wb0, mask=pm)
      plsc.store_scatter(wn_v, [pos // CHUNK, pos % CHUNK],
                         jnp.full((16,), 0, jnp.int32) + wn0, mask=pm)
      return 0
    lax.fori_loop(0, CHUNK // 16, pad_body, 0)

  plsc.subcore_barrier()

  @pl.when(m_w > 0)
  def _do_scatter():
    def gather(c, b):
      pltpu.make_async_copy(
          upd_hbm.at[wb_v.at[c]], rows_v.at[b], gsem.at[b]).start()

    def gather_wait(c, b):
      pltpu.make_async_copy(
          upd_hbm.at[wb_v.at[c]], rows_v.at[b], gsem.at[b]).wait()

    def scat(c, b):
      pltpu.make_async_copy(
          rows_v.at[b], out_hbm.at[wn_v.at[c]], ssem.at[b]).start()

    def scat_wait(c, b):
      pltpu.make_async_copy(
          rows_v.at[b], out_hbm.at[wn_v.at[c]], ssem.at[b]).wait()

    gather(0, 0)

    def chunk_body(c, _):
      b = lax.rem(c, 2)
      gather_wait(c, b)
      scat(c, b)

      @pl.when(c + 1 < n_chunks)
      def _():
        @pl.when(c >= 1)
        def _():
          scat_wait(c - 1, 1 - b)
        gather(c + 1, 1 - b)
      return 0
    lax.fori_loop(0, n_chunks, chunk_body, 0)

    @pl.when(n_chunks >= 2)
    def _():
      scat_wait(n_chunks - 2, lax.rem(n_chunks - 2, 2))
    scat_wait(n_chunks - 1, lax.rem(n_chunks - 1, 2))


def _sc_stage(mem128, node_ids, updated):
  mesh = plsc.VectorSubcoreMesh(
      core_axis_name="c", subcore_axis_name="s", num_cores=NC, num_subcores=NS)
  kern = pl_mpmd._mpmd_map(
      [(mesh, _sc_body)],
      [jax.ShapeDtypeStruct((N_NODES, DP), jnp.float32)],
      input_output_aliases={0: 0},
      compiler_params=pltpu.CompilerParams(
          needs_layout_passes=False, use_tc_tiling_on_sc=True),
      scratch_types=[
          pltpu.VMEM((B,), jnp.int32),
          pltpu.VMEM((TPAD,), jnp.int32),
          pltpu.VMEM((NCHUNKS, CHUNK), jnp.int32),
          pltpu.VMEM((NCHUNKS, CHUNK), jnp.int32),
          pltpu.VMEM((2, CHUNK, DP), jnp.float32),
          pltpu.SemaphoreType.DMA,
          pltpu.SemaphoreType.DMA((2,)),
          pltpu.SemaphoreType.DMA((2,)),
      ],
  )
  return kern(mem128, node_ids, updated)[0]


def kernel(mem, embeddings, times, map_centers, node_ids):
  updated, mem128 = _tc_stage(embeddings, map_centers, times, mem)
  out128 = _sc_stage(mem128, node_ids, updated)
  return out128[:, :D]

# --- scband reference (transcript-rebuilt; emitter-appended) ---
"""Pipeline reference for scband-memory-map-updater-34230889349758 (READ-ONLY COPY).

The authoritative reference and input builder live on the scoring server;
editing this copy changes nothing except your own understanding.
"""

import jax, jax.numpy as jnp
import numpy as np

NUM_NODES = 100000
EMB_DIM = 64
MAP_SIZE = 32
NUM_CELLS = MAP_SIZE * MAP_SIZE
BATCH = 16384


def setup_inputs(seed: int = 0) -> dict:
    key = jax.random.key(seed)
    k1, k2, k3, k4, k5 = jax.random.split(key, 5)
    mem = jax.random.normal(k1, (NUM_NODES, EMB_DIM), dtype=jnp.float32)
    embeddings = jax.random.normal(k2, (BATCH, EMB_DIM), dtype=jnp.float32)
    times = jax.random.uniform(k3, (BATCH,), dtype=jnp.float32)
    map_centers = jax.random.normal(k4, (NUM_CELLS, EMB_DIM), dtype=jnp.float32)
    node_ids = jax.random.randint(k5, (BATCH,), 0, NUM_NODES).astype(jnp.int64 if jax.config.read('jax_enable_x64') else jnp.int32)
    return {"mem": mem, "embeddings": embeddings, "times": times,
            "map_centers": map_centers, "node_ids": node_ids}


def reference(mem, embeddings, times, map_centers, node_ids):
    # distance_calculator: squared euclidean distance of each embedding to every
    # memory-map cell center (size*size cells), as in find_center_distances.
    e2 = jnp.sum(embeddings * embeddings, axis=1, keepdims=True)
    c2 = jnp.sum(map_centers * map_centers, axis=1)[None, :]
    d2 = e2 - 2.0 * (embeddings @ map_centers.T) + c2  # [B, NUM_CELLS]
    # argmin over cells -> assigned cell per node (min_indices / cells)
    cells = jnp.argmin(d2, axis=1)  # [B] int
    # gather assigned cell-center embedding (memory_map.get_map)
    gathered = jnp.take(map_centers, cells, axis=0)  # [B, EMB_DIM]
    # time-weighted blend of node embedding with its cell center
    w = jax.nn.sigmoid(times)[:, None]
    updated_val = w * embeddings + (1.0 - w) * gathered  # [B, EMB_DIM]
    # scatter-overwrite into node memory (memory_map.set_nodes_distance /
    # set_new_nodes semantics: write per-node state keyed by node id)
    mem_new = mem.at[node_ids].set(updated_val)
    return mem_new

if __name__ == "__main__":
    import jax
    _d = setup_inputs()
    print(jax.jit(kernel)(*tuple(_d.values())))

</pallas_src>

<mosaic_0001>
#map = affine_map<(d0, d1) -> (0, 0)>
#map1 = affine_map<(d0, d1) -> (0)>
module attributes {stable_mosaic.version = 14 : i64} {
  func.func @_sc_body(%arg0: i32, %arg1: i32, %arg2: memref<100000x128xf32, #tpu.memory_space<hbm>>, %arg3: memref<16384xi32, #tpu.memory_space<hbm>>, %arg4: memref<16384x128xf32, #tpu.memory_space<hbm>>, %arg5: memref<100000x128xf32, #tpu.memory_space<hbm>>, %arg6: memref<16384xi32, #tpu.memory_space<vmem>>, %arg7: memref<3136xi32, #tpu.memory_space<vmem>>, %arg8: memref<25x128xi32, #tpu.memory_space<vmem>>, %arg9: memref<25x128xi32, #tpu.memory_space<vmem>>, %arg10: memref<2x128x128xf32, #tpu.memory_space<vmem>>, %arg11: memref<!tpu.dma_semaphore, #tpu.memory_space<semaphore_mem>>, %arg12: memref<2x!tpu.dma_semaphore, #tpu.memory_space<semaphore_mem>>, %arg13: memref<2x!tpu.dma_semaphore, #tpu.memory_space<semaphore_mem>>) attributes {dimension_semantics = [#tpu.dimension_semantics<core_parallel>, #tpu.dimension_semantics<subcore_parallel>], iteration_bounds = array<i64: 2, 16>, scalar_prefetch = 0 : i64, scratch_operands = 8 : i64, tpu.core_type = #tpu.core_type<sc_vector_subcore>, window_params = [{transform_indices = #map}, {transform_indices = #map1}, {transform_indices = #map}, {transform_indices = #map}]} {
    %mul3A = arith.constant 2 : i32
    %mul3A_0 = arith.muli %arg1, %mul3A : i32
    %add3A = arith.addi %mul3A_0, %arg0 : i32
    %mul3A_1 = arith.constant 3128 : i32
    %mul3A_2 = arith.muli %add3A, %mul3A_1 : i32
    "tpu.region"() ({
      %run_scoped3A = tpu.sem_alloc : memref<!tpu.dma_semaphore, #tpu.memory_space<semaphore_mem>>
      tpu.enqueue_dma source(%arg3 : memref<16384xi32, #tpu.memory_space<hbm>>) target(%arg6 : memref<16384xi32, #tpu.memory_space<vmem>>) target_semaphore(%run_scoped3A : memref<!tpu.dma_semaphore, #tpu.memory_space<semaphore_mem>>)
      tpu.wait_dma2 semaphore(%run_scoped3A : memref<!tpu.dma_semaphore, #tpu.memory_space<semaphore_mem>>) src(%arg3 : memref<16384xi32, #tpu.memory_space<hbm>>) dst(%arg6 : memref<16384xi32, #tpu.memory_space<vmem>>)
      tpu.yield
    }) : () -> ()
    %iota3A = tpu.iota {dimensions = array<i32: 0>} : vector<16xi32>
    %scan3A = arith.constant 0 : i32
    %scan3A_3 = arith.constant 0 : i32
    %scan3A_4 = arith.constant 196 : i32
    %scan3A_5 = arith.addi %scan3A_3, %scan3A_4 : i32
    %scan3A_6 = arith.constant 1 : i32
    %scan3A_7 = scf.for %scan3A_52 = %scan3A_3 to %scan3A_5 step %scan3A_6 iter_args(%scan3A_53 = %scan3A) -> (i32)  : i32 {
      %broadcast_in_dim3A = arith.constant -1 : i32
      %broadcast_in_dim3A_54 = vector.broadcast %broadcast_in_dim3A : i32 to vector<16xi32>
      %mul3A_55 = arith.constant 16 : i32
      %mul3A_56 = arith.muli %scan3A_52, %mul3A_55 : i32
      %swap3A = arith.index_cast %mul3A_56 : i32 to index
      %swap3A_57 = tpu.vector_load %arg7[%swap3A] {strides = array<i32>} : memref<3136xi32, #tpu.memory_space<vmem>>, vector<16xi32>,
      tpu.vector_store %arg7[%swap3A], %broadcast_in_dim3A_54 {strides = array<i32>} : memref<3136xi32, #tpu.memory_space<vmem>>, vector<16xi32>,
      %scan3A_58 = arith.constant 0 : i32
      scf.yield %scan3A_58 : i32
    }
    %scan3A_8 = arith.constant 196 : i32
    %scan3A_9 = arith.constant 0 : i32
    %scan3A_10 = arith.constant 0 : i32
    %scan3A_11 = arith.constant 1024 : i32
    %scan3A_12 = arith.addi %scan3A_10, %scan3A_11 : i32
    %scan3A_13 = arith.constant 4 : i32
    %scan3A_14 = scf.for %scan3A_52 = %scan3A_10 to %scan3A_12 step %scan3A_13 iter_args(%scan3A_53 = %scan3A_9) -> (i32)  : i32 {
      %mul3A_54 = arith.constant 16 : i32
      %mul3A_55 = arith.muli %scan3A_52, %mul3A_54 : i32
      %get3A = arith.index_cast %mul3A_55 : i32 to index
      %get3A_56 = tpu.vector_load %arg6[%get3A] {strides = array<i32>} : memref<16384xi32, #tpu.memory_space<vmem>>, vector<16xi32>,
      %sub3A_57 = vector.broadcast %mul3A_2 : i32 to vector<16xi32>
      %sub3A_58 = arith.subi %get3A_56, %sub3A_57 : vector<16xi32>
      %ge3A = arith.constant 0 : i32
      %ge3A_59 = vector.broadcast %ge3A : i32 to vector<16xi32>
      %ge3A_60 = arith.cmpi sge, %sub3A_58, %ge3A_59 : vector<16xi32>
      %lt3A = arith.constant 3128 : i32
      %lt3A_61 = vector.broadcast %lt3A : i32 to vector<16xi32>
      %lt3A_62 = arith.cmpi slt, %sub3A_58, %lt3A_61 : vector<16xi32>
      %and3A_63 = arith.andi %ge3A_60, %lt3A_62 : vector<16xi1>
      %mul3A_64 = arith.constant 16 : i32
      %mul3A_65 = arith.muli %scan3A_52, %mul3A_64 : i32
      %add3A_66 = vector.broadcast %mul3A_65 : i32 to vector<16xi32>
      %add3A_67 = arith.addi %iota3A, %add3A_66 : vector<16xi32>
      tpu.vector_store_idx %arg7[%sub3A_58], %add3A_67 masked %and3A_63 : memref<3136xi32, #tpu.memory_space<vmem>>[vector<16xi32>], vector<16xi32>, vector<16xi1>
      %scan3A_68 = arith.constant 0 : i32
      %scan3A_69 = arith.constant 1 : i32
      %scan3A_70 = arith.addi %scan3A_52, %scan3A_69 : i32
      %mul3A_71 = arith.constant 16 : i32
      %mul3A_72 = arith.muli %scan3A_70, %mul3A_71 : i32
      %get3A_73 = arith.index_cast %mul3A_72 : i32 to index
      %get3A_74 = tpu.vector_load %arg6[%get3A_73] {strides = array<i32>} : memref<16384xi32, #tpu.memory_space<vmem>>, vector<16xi32>,
      %sub3A_75 = vector.broadcast %mul3A_2 : i32 to vector<16xi32>
      %sub3A_76 = arith.subi %get3A_74, %sub3A_75 : vector<16xi32>
      %ge3A_77 = arith.constant 0 : i32
      %ge3A_78 = vector.broadcast %ge3A_77 : i32 to vector<16xi32>
      %ge3A_79 = arith.cmpi sge, %sub3A_76, %ge3A_78 : vector<16xi32>
      %lt3A_80 = arith.constant 3128 : i32
      %lt3A_81 = vector.broadcast %lt3A_80 : i32 to vector<16xi32>
      %lt3A_82 = arith.cmpi slt, %sub3A_76, %lt3A_81 : vector<16xi32>
      %and3A_83 = arith.andi %ge3A_79, %lt3A_82 : vector<16xi1>
      %mul3A_84 = arith.constant 16 : i32
      %mul3A_85 = arith.muli %scan3A_70, %mul3A_84 : i32
      %add3A_86 = vector.broadcast %mul3A_85 : i32 to vector<16xi32>
      %add3A_87 = arith.addi %iota3A, %add3A_86 : vector<16xi32>
      tpu.vector_store_idx %arg7[%sub3A_76], %add3A_87 masked %and3A_83 : memref<3136xi32, #tpu.memory_space<vmem>>[vector<16xi32>], vector<16xi32>, vector<16xi1>
      %scan3A_88 = arith.constant 0 : i32
      %scan3A_89 = arith.constant 2 : i32
      %scan3A_90 = arith.addi %scan3A_52, %scan3A_89 : i32
      %mul3A_91 = arith.constant 16 : i32
      %mul3A_92 = arith.muli %scan3A_90, %mul3A_91 : i32
      %get3A_93 = arith.index_cast %mul3A_92 : i32 to index
      %get3A_94 = tpu.vector_load %arg6[%get3A_93] {strides = array<i32>} : memref<16384xi32, #tpu.memory_space<vmem>>, vector<16xi32>,
      %sub3A_95 = vector.broadcast %mul3A_2 : i32 to vector<16xi32>
      %sub3A_96 = arith.subi %get3A_94, %sub3A_95 : vector<16xi32>
      %ge3A_97 = arith.constant 0 : i32
      %ge3A_98 = vector.broadcast %ge3A_97 : i32 to vector<16xi32>
      %ge3A_99 = arith.cmpi sge, %sub3A_96, %ge3A_98 : vector<16xi32>
      %lt3A_100 = arith.constant 3128 : i32
      %lt3A_101 = vector.broadcast %lt3A_100 : i32 to vector<16xi32>
      %lt3A_102 = arith.cmpi slt, %sub3A_96, %lt3A_101 : vector<16xi32>
      %and3A_103 = arith.andi %ge3A_99, %lt3A_102 : vector<16xi1>
      %mul3A_104 = arith.constant 16 : i32
      %mul3A_105 = arith.muli %scan3A_90, %mul3A_104 : i32
      %add3A_106 = vector.broadcast %mul3A_105 : i32 to vector<16xi32>
      %add3A_107 = arith.addi %iota3A, %add3A_106 : vector<16xi32>
      tpu.vector_store_idx %arg7[%sub3A_96], %add3A_107 masked %and3A_103 : memref<3136xi32, #tpu.memory_space<vmem>>[vector<16xi32>], vector<16xi32>, vector<16xi1>
      %scan3A_108 = arith.constant 0 : i32
      %scan3A_109 = arith.constant 3 : i32
      %scan3A_110 = arith.addi %scan3A_52, %scan3A_109 : i32
      %mul3A_111 = arith.constant 16 : i32
      %mul3A_112 = arith.muli %scan3A_110, %mul3A_111 : i32
      %get3A_113 = arith.index_cast %mul3A_112 : i32 to index
      %get3A_114 = tpu.vector_load %arg6[%get3A_113] {strides = array<i32>} : memref<16384xi32, #tpu.memory_space<vmem>>, vector<16xi32>,
      %sub3A_115 = vector.broadcast %mul3A_2 : i32 to vector<16xi32>
      %sub3A_116 = arith.subi %get3A_114, %sub3A_115 : vector<16xi32>
      %ge3A_117 = arith.constant 0 : i32
      %ge3A_118 = vector.broadcast %ge3A_117 : i32 to vector<16xi32>
      %ge3A_119 = arith.cmpi sge, %sub3A_116, %ge3A_118 : vector<16xi32>
      %lt3A_120 = arith.constant 3128 : i32
      %lt3A_121 = vector.broadcast %lt3A_120 : i32 to vector<16xi32>
      %lt3A_122 = arith.cmpi slt, %sub3A_116, %lt3A_121 : vector<16xi32>
      %and3A_123 = arith.andi %ge3A_119, %lt3A_122 : vector<16xi1>
      %mul3A_124 = arith.constant 16 : i32
      %mul3A_125 = arith.muli %scan3A_110, %mul3A_124 : i32
      %add3A_126 = vector.broadcast %mul3A_125 : i32 to vector<16xi32>
      %add3A_127 = arith.addi %iota3A, %add3A_126 : vector<16xi32>
      tpu.vector_store_idx %arg7[%sub3A_116], %add3A_127 masked %and3A_123 : memref<3136xi32, #tpu.memory_space<vmem>>[vector<16xi32>], vector<16xi32>, vector<16xi1>
      %scan3A_128 = arith.constant 0 : i32
      scf.yield %scan3A_128 : i32
    }
    %scan3A_15 = arith.constant 1024 : i32
    %barrier3A = arith.constant 0 : index
    tpu.barrier barrier_id(%barrier3A)
    %scan3A_16 = arith.constant 0 : i32
    %scan3A_17 = arith.constant 0 : i32
    %scan3A_18 = arith.constant 196 : i32
    %scan3A_19 = arith.addi %scan3A_17, %scan3A_18 : i32
    %scan3A_20 = arith.constant 1 : i32
    %scan3A_21 = scf.for %scan3A_52 = %scan3A_17 to %scan3A_19 step %scan3A_20 iter_args(%scan3A_53 = %scan3A_16) -> (i32)  : i32 {
      %mul3A_54 = arith.constant 16 : i32
      %mul3A_55 = arith.muli %scan3A_52, %mul3A_54 : i32
      %get3A = arith.index_cast %mul3A_55 : i32 to index
      %get3A_56 = tpu.vector_load %arg7[%get3A] {strides = array<i32>} : memref<3136xi32, #tpu.memory_space<vmem>>, vector<16xi32>,
      %ge3A = arith.constant 0 : i32
      %ge3A_57 = vector.broadcast %ge3A : i32 to vector<16xi32>
      %ge3A_58 = arith.cmpi sge, %get3A_56, %ge3A_57 : vector<16xi32>
      %convert_element_type3A_59 = arith.extui %ge3A_58 : vector<16xi1> to vector<16xi32>
      %broadcast_in_dim3A = arith.constant true
      %broadcast_in_dim3A_60 = vector.broadcast %broadcast_in_dim3A : i1 to vector<16xi1>
      %masked_cumsum3A = tpu.scan <sum>, %convert_element_type3A_59 masked %broadcast_in_dim3A_60 : vector<16xi32>, vector<16xi1> -> vector<16xi32>
      %add3A_61 = vector.broadcast %scan3A_53 : i32 to vector<16xi32>
      %add3A_62 = arith.addi %add3A_61, %masked_cumsum3A : vector<16xi32>
      %sub3A_63 = arith.constant 1 : i32
      %sub3A_64 = vector.broadcast %sub3A_63 : i32 to vector<16xi32>
      %sub3A_65 = arith.subi %add3A_62, %sub3A_64 : vector<16xi32>
      %mul3A_66 = arith.constant 16 : i32
      %mul3A_67 = arith.muli %scan3A_52, %mul3A_66 : i32
      %add3A_68 = arith.addi %mul3A_67, %mul3A_2 : i32
      %add3A_69 = vector.broadcast %add3A_68 : i32 to vector<16xi32>
      %add3A_70 = arith.addi %iota3A, %add3A_69 : vector<16xi32>
      %jit3A_71 = arith.constant 128 : i32
      %div3A_72 = vector.broadcast %jit3A_71 : i32 to vector<16xi32>
      %div3A_73 = arith.divsi %sub3A_65, %div3A_72 : vector<16xi32>
      %sign3A_74 = arith.constant 0 : i32
      %sign3A_75 = vector.broadcast %sign3A_74 : i32 to vector<16xi32>
      %sign3A_76 = arith.cmpi sgt, %sub3A_65, %sign3A_75 : vector<16xi32>
      %sign3A_77 = arith.extui %sign3A_76 : vector<16xi1> to vector<16xi32>
      %sign3A_78 = arith.constant 0 : i32
      %sign3A_79 = vector.broadcast %sign3A_78 : i32 to vector<16xi32>
      %sign3A_80 = arith.cmpi slt, %sub3A_65, %sign3A_79 : vector<16xi32>
      %sign3A_81 = arith.extui %sign3A_80 : vector<16xi1> to vector<16xi32>
      %sign3A_82 = arith.subi %sign3A_77, %sign3A_81 : vector<16xi32>
      %sign3A_83 = arith.constant 0 : i32
      %sign3A_84 = arith.cmpi sgt, %jit3A_71, %sign3A_83 : i32
      %sign3A_85 = arith.extui %sign3A_84 : i1 to i32
      %sign3A_86 = arith.constant 0 : i32
      %sign3A_87 = arith.cmpi slt, %jit3A_71, %sign3A_86 : i32
      %sign3A_88 = arith.extui %sign3A_87 : i1 to i32
      %sign3A_89 = arith.subi %sign3A_85, %sign3A_88 : i32
      %ne3A_90 = vector.broadcast %sign3A_89 : i32 to vector<16xi32>
      %ne3A_91 = arith.cmpi ne, %sign3A_82, %ne3A_90 : vector<16xi32>
      %rem3A_92 = vector.broadcast %jit3A_71 : i32 to vector<16xi32>
      %rem3A_93 = arith.remsi %sub3A_65, %rem3A_92 : vector<16xi32>
      %ne3A_94 = arith.constant 0 : i32
      %ne3A_95 = vector.broadcast %ne3A_94 : i32 to vector<16xi32>
      %ne3A_96 = arith.cmpi ne, %rem3A_93, %ne3A_95 : vector<16xi32>
      %and3A_97 = arith.andi %ne3A_91, %ne3A_96 : vector<16xi1>
      %sub3A_98 = arith.constant 1 : i32
      %sub3A_99 = vector.broadcast %sub3A_98 : i32 to vector<16xi32>
      %sub3A_100 = arith.subi %div3A_73, %sub3A_99 : vector<16xi32>
      %select_n3A_101 = arith.select %and3A_97, %sub3A_100, %div3A_73 : vector<16xi1>, vector<16xi32>
      %jit3A_102 = arith.constant 128 : i32
      %eq3A = arith.constant 0 : i32
      %eq3A_103 = arith.cmpi eq, %jit3A_102, %eq3A : i32
      %jit3A_104 = arith.constant 1 : i32
      %select_n3A_105 = arith.select %eq3A_103, %jit3A_104, %jit3A_102 : i32
      %rem3A_106 = vector.broadcast %select_n3A_105 : i32 to vector<16xi32>
      %rem3A_107 = arith.remsi %sub3A_65, %rem3A_106 : vector<16xi32>
      %ne3A_108 = arith.constant 0 : i32
      %ne3A_109 = vector.broadcast %ne3A_108 : i32 to vector<16xi32>
      %ne3A_110 = arith.cmpi ne, %rem3A_107, %ne3A_109 : vector<16xi32>
      %lt3A = arith.constant 0 : i32
      %lt3A_111 = vector.broadcast %lt3A : i32 to vector<16xi32>
      %lt3A_112 = arith.cmpi slt, %rem3A_107, %lt3A_111 : vector<16xi32>
      %lt3A_113 = arith.constant 0 : i32
      %lt3A_114 = arith.cmpi slt, %select_n3A_105, %lt3A_113 : i32
      %ne3A_115 = vector.broadcast %lt3A_114 : i1 to vector<16xi1>
      %ne3A_116 = vector.broadcast %ne3A_115 : vector<16xi1> to vector<16xi1>
      %ne3A_117 = arith.xori %lt3A_112, %ne3A_116 : vector<16xi1>
      %and3A_118 = arith.andi %ne3A_117, %ne3A_110 : vector<16xi1>
      %add3A_119 = vector.broadcast %select_n3A_105 : i32 to vector<16xi32>
      %add3A_120 = arith.addi %rem3A_107, %add3A_119 : vector<16xi32>
      %select_n3A_121 = arith.select %and3A_118, %add3A_120, %rem3A_107 : vector<16xi1>, vector<16xi32>
      tpu.vector_store_idx %arg8[%select_n3A_101, %select_n3A_121], %get3A_56 masked %ge3A_58 : memref<25x128xi32, #tpu.memory_space<vmem>>[vector<16xi32>, vector<16xi32>], vector<16xi32>, vector<16xi1>
      %jit3A_122 = arith.constant 128 : i32
      %div3A_123 = vector.broadcast %jit3A_122 : i32 to vector<16xi32>
      %div3A_124 = arith.divsi %sub3A_65, %div3A_123 : vector<16xi32>
      %sign3A_125 = arith.constant 0 : i32
      %sign3A_126 = vector.broadcast %sign3A_125 : i32 to vector<16xi32>
      %sign3A_127 = arith.cmpi sgt, %sub3A_65, %sign3A_126 : vector<16xi32>
      %sign3A_128 = arith.extui %sign3A_127 : vector<16xi1> to vector<16xi32>
      %sign3A_129 = arith.constant 0 : i32
      %sign3A_130 = vector.broadcast %sign3A_129 : i32 to vector<16xi32>
      %sign3A_131 = arith.cmpi slt, %sub3A_65, %sign3A_130 : vector<16xi32>
      %sign3A_132 = arith.extui %sign3A_131 : vector<16xi1> to vector<16xi32>
      %sign3A_133 = arith.subi %sign3A_128, %sign3A_132 : vector<16xi32>
      %sign3A_134 = arith.constant 0 : i32
      %sign3A_135 = arith.cmpi sgt, %jit3A_122, %sign3A_134 : i32
      %sign3A_136 = arith.extui %sign3A_135 : i1 to i32
      %sign3A_137 = arith.constant 0 : i32
      %sign3A_138 = arith.cmpi slt, %jit3A_122, %sign3A_137 : i32
      %sign3A_139 = arith.extui %sign3A_138 : i1 to i32
      %sign3A_140 = arith.subi %sign3A_136, %sign3A_139 : i32
      %ne3A_141 = vector.broadcast %sign3A_140 : i32 to vector<16xi32>
      %ne3A_142 = arith.cmpi ne, %sign3A_133, %ne3A_141 : vector<16xi32>
      %rem3A_143 = vector.broadcast %jit3A_122 : i32 to vector<16xi32>
      %rem3A_144 = arith.remsi %sub3A_65, %rem3A_143 : vector<16xi32>
      %ne3A_145 = arith.constant 0 : i32
      %ne3A_146 = vector.broadcast %ne3A_145 : i32 to vector<16xi32>
      %ne3A_147 = arith.cmpi ne, %rem3A_144, %ne3A_146 : vector<16xi32>
      %and3A_148 = arith.andi %ne3A_142, %ne3A_147 : vector<16xi1>
      %sub3A_149 = arith.constant 1 : i32
      %sub3A_150 = vector.broadcast %sub3A_149 : i32 to vector<16xi32>
      %sub3A_151 = arith.subi %div3A_124, %sub3A_150 : vector<16xi32>
      %select_n3A_152 = arith.select %and3A_148, %sub3A_151, %div3A_124 : vector<16xi1>, vector<16xi32>
      %jit3A_153 = arith.constant 128 : i32
      %eq3A_154 = arith.constant 0 : i32
      %eq3A_155 = arith.cmpi eq, %jit3A_153, %eq3A_154 : i32
      %jit3A_156 = arith.constant 1 : i32
      %select_n3A_157 = arith.select %eq3A_155, %jit3A_156, %jit3A_153 : i32
      %rem3A_158 = vector.broadcast %select_n3A_157 : i32 to vector<16xi32>
      %rem3A_159 = arith.remsi %sub3A_65, %rem3A_158 : vector<16xi32>
      %ne3A_160 = arith.constant 0 : i32
      %ne3A_161 = vector.broadcast %ne3A_160 : i32 to vector<16xi32>
      %ne3A_162 = arith.cmpi ne, %rem3A_159, %ne3A_161 : vector<16xi32>
      %lt3A_163 = arith.constant 0 : i32
      %lt3A_164 = vector.broadcast %lt3A_163 : i32 to vector<16xi32>
      %lt3A_165 = arith.cmpi slt, %rem3A_159, %lt3A_164 : vector<16xi32>
      %lt3A_166 = arith.constant 0 : i32
      %lt3A_167 = arith.cmpi slt, %select_n3A_157, %lt3A_166 : i32
      %ne3A_168 = vector.broadcast %lt3A_167 : i1 to vector<16xi1>
      %ne3A_169 = vector.broadcast %ne3A_168 : vector<16xi1> to vector<16xi1>
      %ne3A_170 = arith.xori %lt3A_165, %ne3A_169 : vector<16xi1>
      %and3A_171 = arith.andi %ne3A_170, %ne3A_162 : vector<16xi1>
      %add3A_172 = vector.broadcast %select_n3A_157 : i32 to vector<16xi32>
      %add3A_173 = arith.addi %rem3A_159, %add3A_172 : vector<16xi32>
      %select_n3A_174 = arith.select %and3A_171, %add3A_173, %rem3A_159 : vector<16xi1>, vector<16xi32>
      tpu.vector_store_idx %arg9[%select_n3A_152, %select_n3A_174], %add3A_70 masked %ge3A_58 : memref<25x128xi32, #tpu.memory_space<vmem>>[vector<16xi32>, vector<16xi32>], vector<16xi32>, vector<16xi1>
      %convert_element_type3A_175 = arith.extui %ge3A_58 : vector<16xi1> to vector<16xi32>
      %reduce_sum3A = arith.constant true
      %reduce_sum3A_176 = vector.broadcast %reduce_sum3A : i1 to vector<16xi1>
      %reduce_sum3A_177 = tpu.scan <sum>, %convert_element_type3A_175 masked %reduce_sum3A_176 : vector<16xi32>, vector<16xi1> -> vector<16xi32>
      %reduce_sum3A_178 = vector.extract %reduce_sum3A_177[15] : i32 from vector<16xi32>
      %add3A_179 = arith.addi %scan3A_53, %reduce_sum3A_178 : i32
      scf.yield %add3A_179 : i32
    }
    %scan3A_22 = arith.constant 196 : i32
    %barrier3A_23 = arith.constant 0 : index
    tpu.barrier barrier_id(%barrier3A_23)
    %add3A_24 = arith.constant 128 : i32
    %add3A_25 = arith.addi %scan3A_21, %add3A_24 : i32
    %sub3A = arith.constant 1 : i32
    %sub3A_26 = arith.subi %add3A_25, %sub3A : i32
    %jit3A = arith.constant 128 : i32
    %div3A = arith.divsi %sub3A_26, %jit3A : i32
    %sign3A = arith.constant 0 : i32
    %sign3A_27 = arith.cmpi sgt, %sub3A_26, %sign3A : i32
    %sign3A_28 = arith.extui %sign3A_27 : i1 to i32
    %sign3A_29 = arith.constant 0 : i32
    %sign3A_30 = arith.cmpi slt, %sub3A_26, %sign3A_29 : i32
    %sign3A_31 = arith.extui %sign3A_30 : i1 to i32
    %sign3A_32 = arith.subi %sign3A_28, %sign3A_31 : i32
    %sign3A_33 = arith.constant 0 : i32
    %sign3A_34 = arith.cmpi sgt, %jit3A, %sign3A_33 : i32
    %sign3A_35 = arith.extui %sign3A_34 : i1 to i32
    %sign3A_36 = arith.constant 0 : i32
    %sign3A_37 = arith.cmpi slt, %jit3A, %sign3A_36 : i32
    %sign3A_38 = arith.extui %sign3A_37 : i1 to i32
    %sign3A_39 = arith.subi %sign3A_35, %sign3A_38 : i32
    %ne3A = arith.cmpi ne, %sign3A_32, %sign3A_39 : i32
    %rem3A = arith.remsi %sub3A_26, %jit3A : i32
    %ne3A_40 = arith.constant 0 : i32
    %ne3A_41 = arith.cmpi ne, %rem3A, %ne3A_40 : i32
    %and3A = arith.andi %ne3A, %ne3A_41 : i1
    %sub3A_42 = arith.constant 1 : i32
    %sub3A_43 = arith.subi %div3A, %sub3A_42 : i32
    %select_n3A = arith.select %and3A, %sub3A_43, %div3A : i32
    %gt3A = arith.constant 0 : i32
    %gt3A_44 = arith.cmpi sgt, %scan3A_21, %gt3A : i32
    %convert_element_type3A = arith.extui %gt3A_44 : i1 to i32
    %cond3A = arith.constant 0 : i32
    %cond3A_45 = arith.cmpi ne, %convert_element_type3A, %cond3A : i32
    scf.if %cond3A_45 {
      %get3A = arith.constant 0 : i32
      %get3A_52 = arith.index_cast %get3A : i32 to index
      %get3A_53 = arith.constant 0 : index
      %get3A_54 = tpu.vector_load %arg8[%get3A_52, %get3A_53] {strides = array<i32>} : memref<25x128xi32, #tpu.memory_space<vmem>>, vector<16xi32>,
      %get3A_55 = arith.constant 0 : i32
      %get3A_56 = arith.index_cast %get3A_55 : i32 to index
      %get3A_57 = arith.constant 0 : index
      %get3A_58 = tpu.vector_load %arg9[%get3A_56, %get3A_57] {strides = array<i32>} : memref<25x128xi32, #tpu.memory_space<vmem>>, vector<16xi32>,
      %eq3A = arith.constant 0 : i32
      %eq3A_59 = vector.broadcast %eq3A : i32 to vector<16xi32>
      %eq3A_60 = arith.cmpi eq, %iota3A, %eq3A_59 : vector<16xi32>
      %convert_element_type3A_61 = arith.extui %eq3A_60 : vector<16xi1> to vector<16xi32>
      %mul3A_62 = arith.muli %get3A_54, %convert_element_type3A_61 : vector<16xi32>
      %reduce_sum3A = arith.constant true
      %reduce_sum3A_63 = vector.broadcast %reduce_sum3A : i1 to vector<16xi1>
      %reduce_sum3A_64 = tpu.scan <sum>, %mul3A_62 masked %reduce_sum3A_63 : vector<16xi32>, vector<16xi1> -> vector<16xi32>
      %reduce_sum3A_65 = vector.extract %reduce_sum3A_64[15] : i32 from vector<16xi32>
      %mul3A_66 = arith.muli %get3A_58, %convert_element_type3A_61 : vector<16xi32>
      %reduce_sum3A_67 = arith.constant true
      %reduce_sum3A_68 = vector.broadcast %reduce_sum3A_67 : i1 to vector<16xi1>
      %reduce_sum3A_69 = tpu.scan <sum>, %mul3A_66 masked %reduce_sum3A_68 : vector<16xi32>, vector<16xi1> -> vector<16xi32>
      %reduce_sum3A_70 = vector.extract %reduce_sum3A_69[15] : i32 from vector<16xi32>
      %mul3A_71 = arith.constant 128 : i32
      %mul3A_72 = arith.muli %select_n3A, %mul3A_71 : i32
      %scan3A_73 = arith.constant 0 : i32
      %scan3A_74 = arith.constant 0 : i32
      %scan3A_75 = arith.constant 8 : i32
      %scan3A_76 = arith.addi %scan3A_74, %scan3A_75 : i32
      %scan3A_77 = arith.constant 1 : i32
      %scan3A_78 = scf.for %scan3A_80 = %scan3A_74 to %scan3A_76 step %scan3A_77 iter_args(%scan3A_81 = %scan3A_73) -> (i32)  : i32 {
        %mul3A_82 = arith.constant 16 : i32
        %mul3A_83 = arith.muli %scan3A_80, %mul3A_82 : i32
        %add3A_84 = arith.addi %scan3A_21, %mul3A_83 : i32
        %add3A_85 = vector.broadcast %add3A_84 : i32 to vector<16xi32>
        %add3A_86 = arith.addi %add3A_85, %iota3A : vector<16xi32>
        %lt3A = vector.broadcast %mul3A_72 : i32 to vector<16xi32>
        %lt3A_87 = arith.cmpi slt, %add3A_86, %lt3A : vector<16xi32>
        %jit3A_88 = arith.constant 128 : i32
        %div3A_89 = vector.broadcast %jit3A_88 : i32 to vector<16xi32>
        %div3A_90 = arith.divsi %add3A_86, %div3A_89 : vector<16xi32>
        %sign3A_91 = arith.constant 0 : i32
        %sign3A_92 = vector.broadcast %sign3A_91 : i32 to vector<16xi32>
        %sign3A_93 = arith.cmpi sgt, %add3A_86, %sign3A_92 : vector<16xi32>
        %sign3A_94 = arith.extui %sign3A_93 : vector<16xi1> to vector<16xi32>
        %sign3A_95 = arith.constant 0 : i32
        %sign3A_96 = vector.broadcast %sign3A_95 : i32 to vector<16xi32>
        %sign3A_97 = arith.cmpi slt, %add3A_86, %sign3A_96 : vector<16xi32>
        %sign3A_98 = arith.extui %sign3A_97 : vector<16xi1> to vector<16xi32>
        %sign3A_99 = arith.subi %sign3A_94, %sign3A_98 : vector<16xi32>
        %sign3A_100 = arith.constant 0 : i32
        %sign3A_101 = arith.cmpi sgt, %jit3A_88, %sign3A_100 : i32
        %sign3A_102 = arith.extui %sign3A_101 : i1 to i32
        %sign3A_103 = arith.constant 0 : i32
        %sign3A_104 = arith.cmpi slt, %jit3A_88, %sign3A_103 : i32
        %sign3A_105 = arith.extui %sign3A_104 : i1 to i32
        %sign3A_106 = arith.subi %sign3A_102, %sign3A_105 : i32
        %ne3A_107 = vector.broadcast %sign3A_106 : i32 to vector<16xi32>
        %ne3A_108 = arith.cmpi ne, %sign3A_99, %ne3A_107 : vector<16xi32>
        %rem3A_109 = vector.broadcast %jit3A_88 : i32 to vector<16xi32>
        %rem3A_110 = arith.remsi %add3A_86, %rem3A_109 : vector<16xi32>
        %ne3A_111 = arith.constant 0 : i32
        %ne3A_112 = vector.broadcast %ne3A_111 : i32 to vector<16xi32>
        %ne3A_113 = arith.cmpi ne, %rem3A_110, %ne3A_112 : vector<16xi32>
        %and3A_114 = arith.andi %ne3A_108, %ne3A_113 : vector<16xi1>
        %sub3A_115 = arith.constant 1 : i32
        %sub3A_116 = vector.broadcast %sub3A_115 : i32 to vector<16xi32>
        %sub3A_117 = arith.subi %div3A_90, %sub3A_116 : vector<16xi32>
        %select_n3A_118 = arith.select %and3A_114, %sub3A_117, %div3A_90 : vector<16xi1>, vector<16xi32>
        %jit3A_119 = arith.constant 128 : i32
        %eq3A_120 = arith.constant 0 : i32
        %eq3A_121 = arith.cmpi eq, %jit3A_119, %eq3A_120 : i32
        %jit3A_122 = arith.constant 1 : i32
        %select_n3A_123 = arith.select %eq3A_121, %jit3A_122, %jit3A_119 : i32
        %rem3A_124 = vector.broadcast %select_n3A_123 : i32 to vector<16xi32>
        %rem3A_125 = arith.remsi %add3A_86, %rem3A_124 : vector<16xi32>
        %ne3A_126 = arith.constant 0 : i32
        %ne3A_127 = vector.broadcast %ne3A_126 : i32 to vector<16xi32>
        %ne3A_128 = arith.cmpi ne, %rem3A_125, %ne3A_127 : vector<16xi32>
        %lt3A_129 = arith.constant 0 : i32
        %lt3A_130 = vector.broadcast %lt3A_129 : i32 to vector<16xi32>
        %lt3A_131 = arith.cmpi slt, %rem3A_125, %lt3A_130 : vector<16xi32>
        %lt3A_132 = arith.constant 0 : i32
        %lt3A_133 = arith.cmpi slt, %select_n3A_123, %lt3A_132 : i32
        %ne3A_134 = vector.broadcast %lt3A_133 : i1 to vector<16xi1>
        %ne3A_135 = vector.broadcast %ne3A_134 : vector<16xi1> to vector<16xi1>
        %ne3A_136 = arith.xori %lt3A_131, %ne3A_135 : vector<16xi1>
        %and3A_137 = arith.andi %ne3A_136, %ne3A_128 : vector<16xi1>
        %add3A_138 = vector.broadcast %select_n3A_123 : i32 to vector<16xi32>
        %add3A_139 = arith.addi %rem3A_125, %add3A_138 : vector<16xi32>
        %select_n3A_140 = arith.select %and3A_137, %add3A_139, %rem3A_125 : vector<16xi1>, vector<16xi32>
        %broadcast_in_dim3A = arith.constant 0 : i32
        %broadcast_in_dim3A_141 = vector.broadcast %broadcast_in_dim3A : i32 to vector<16xi32>
        %add3A_142 = vector.broadcast %reduce_sum3A_65 : i32 to vector<16xi32>
        %add3A_143 = arith.addi %broadcast_in_dim3A_141, %add3A_142 : vector<16xi32>
        tpu.vector_store_idx %arg8[%select_n3A_118, %select_n3A_140], %add3A_143 masked %lt3A_87 : memref<25x128xi32, #tpu.memory_space<vmem>>[vector<16xi32>, vector<16xi32>], vector<16xi32>, vector<16xi1>
        %jit3A_144 = arith.constant 128 : i32
        %div3A_145 = vector.broadcast %jit3A_144 : i32 to vector<16xi32>
        %div3A_146 = arith.divsi %add3A_86, %div3A_145 : vector<16xi32>
        %sign3A_147 = arith.constant 0 : i32
        %sign3A_148 = vector.broadcast %sign3A_147 : i32 to vector<16xi32>
        %sign3A_149 = arith.cmpi sgt, %add3A_86, %sign3A_148 : vector<16xi32>
        %sign3A_150 = arith.extui %sign3A_149 : vector<16xi1> to vector<16xi32>
        %sign3A_151 = arith.constant 0 : i32
        %sign3A_152 = vector.broadcast %sign3A_151 : i32 to vector<16xi32>
        %sign3A_153 = arith.cmpi slt, %add3A_86, %sign3A_152 : vector<16xi32>
        %sign3A_154 = arith.extui %sign3A_153 : vector<16xi1> to vector<16xi32>
        %sign3A_155 = arith.subi %sign3A_150, %sign3A_154 : vector<16xi32>
        %sign3A_156 = arith.constant 0 : i32
        %sign3A_157 = arith.cmpi sgt, %jit3A_144, %sign3A_156 : i32
        %sign3A_158 = arith.extui %sign3A_157 : i1 to i32
        %sign3A_159 = arith.constant 0 : i32
        %sign3A_160 = arith.cmpi slt, %jit3A_144, %sign3A_159 : i32
        %sign3A_161 = arith.extui %sign3A_160 : i1 to i32
        %sign3A_162 = arith.subi %sign3A_158, %sign3A_161 : i32
        %ne3A_163 = vector.broadcast %sign3A_162 : i32 to vector<16xi32>
        %ne3A_164 = arith.cmpi ne, %sign3A_155, %ne3A_163 : vector<16xi32>
        %rem3A_165 = vector.broadcast %jit3A_144 : i32 to vector<16xi32>
        %rem3A_166 = arith.remsi %add3A_86, %rem3A_165 : vector<16xi32>
        %ne3A_167 = arith.constant 0 : i32
        %ne3A_168 = vector.broadcast %ne3A_167 : i32 to vector<16xi32>
        %ne3A_169 = arith.cmpi ne, %rem3A_166, %ne3A_168 : vector<16xi32>
        %and3A_170 = arith.andi %ne3A_164, %ne3A_169 : vector<16xi1>
        %sub3A_171 = arith.constant 1 : i32
        %sub3A_172 = vector.broadcast %sub3A_171 : i32 to vector<16xi32>
        %sub3A_173 = arith.subi %div3A_146, %sub3A_172 : vector<16xi32>
        %select_n3A_174 = arith.select %and3A_170, %sub3A_173, %div3A_146 : vector<16xi1>, vector<16xi32>
        %jit3A_175 = arith.constant 128 : i32
        %eq3A_176 = arith.constant 0 : i32
        %eq3A_177 = arith.cmpi eq, %jit3A_175, %eq3A_176 : i32
        %jit3A_178 = arith.constant 1 : i32
        %select_n3A_179 = arith.select %eq3A_177, %jit3A_178, %jit3A_175 : i32
        %rem3A_180 = vector.broadcast %select_n3A_179 : i32 to vector<16xi32>
        %rem3A_181 = arith.remsi %add3A_86, %rem3A_180 : vector<16xi32>
        %ne3A_182 = arith.constant 0 : i32
        %ne3A_183 = vector.broadcast %ne3A_182 : i32 to vector<16xi32>
        %ne3A_184 = arith.cmpi ne, %rem3A_181, %ne3A_183 : vector<16xi32>
        %lt3A_185 = arith.constant 0 : i32
        %lt3A_186 = vector.broadcast %lt3A_185 : i32 to vector<16xi32>
        %lt3A_187 = arith.cmpi slt, %rem3A_181, %lt3A_186 : vector<16xi32>
        %lt3A_188 = arith.constant 0 : i32
        %lt3A_189 = arith.cmpi slt, %select_n3A_179, %lt3A_188 : i32
        %ne3A_190 = vector.broadcast %lt3A_189 : i1 to vector<16xi1>
        %ne3A_191 = vector.broadcast %ne3A_190 : vector<16xi1> to vector<16xi1>
        %ne3A_192 = arith.xori %lt3A_187, %ne3A_191 : vector<16xi1>
        %and3A_193 = arith.andi %ne3A_192, %ne3A_184 : vector<16xi1>
        %add3A_194 = vector.broadcast %select_n3A_179 : i32 to vector<16xi32>
        %add3A_195 = arith.addi %rem3A_181, %add3A_194 : vector<16xi32>
        %select_n3A_196 = arith.select %and3A_193, %add3A_195, %rem3A_181 : vector<16xi1>, vector<16xi32>
        %broadcast_in_dim3A_197 = arith.constant 0 : i32
        %broadcast_in_dim3A_198 = vector.broadcast %broadcast_in_dim3A_197 : i32 to vector<16xi32>
        %add3A_199 = vector.broadcast %reduce_sum3A_70 : i32 to vector<16xi32>
        %add3A_200 = arith.addi %broadcast_in_dim3A_198, %add3A_199 : vector<16xi32>
        tpu.vector_store_idx %arg9[%select_n3A_174, %select_n3A_196], %add3A_200 masked %lt3A_87 : memref<25x128xi32, #tpu.memory_space<vmem>>[vector<16xi32>, vector<16xi32>], vector<16xi32>, vector<16xi1>
        %scan3A_201 = arith.constant 0 : i32
        scf.yield %scan3A_201 : i32
      }
      %scan3A_79 = arith.constant 8 : i32
    } else {
    }
    %barrier3A_46 = arith.constant 0 : index
    tpu.barrier barrier_id(%barrier3A_46)
    %gt3A_47 = arith.constant 0 : i32
    %gt3A_48 = arith.cmpi sgt, %scan3A_21, %gt3A_47 : i32
    %convert_element_type3A_49 = arith.extui %gt3A_48 : i1 to i32
    %cond3A_50 = arith.constant 0 : i32
    %cond3A_51 = arith.cmpi ne, %convert_element_type3A_49, %cond3A_50 : i32
    scf.if %cond3A_51 {
      %dma_start3A = arith.constant 0 : i32
      %dma_start3A_52 = arith.constant 0 : i32
      %dma_start3A_53 = arith.constant 0 : i32
      %dma_start3A_54 = arith.constant 0 : i32
      %dma_start3A_55 = arith.constant 0 : i32
      %dma_start3A_56 = tpu.memref_slice %arg10[%dma_start3A_52, %dma_start3A_54, %dma_start3A_55] : memref<2x128x128xf32, #tpu.memory_space<vmem>> -> memref<1x128x128xf32, #tpu.memory_space<vmem>>
      %dma_start3A_57 = tpu.memref_squeeze %dma_start3A_56 : memref<1x128x128xf32, #tpu.memory_space<vmem>> -> memref<128x128xf32, #tpu.memory_space<vmem>>
      %dma_start3A_58 = arith.constant 0 : i32
      %dma_start3A_59 = tpu.memref_slice %arg8[%dma_start3A, %dma_start3A_58] : memref<25x128xi32, #tpu.memory_space<vmem>> -> memref<1x128xi32, #tpu.memory_space<vmem>>
      %dma_start3A_60 = tpu.memref_squeeze %dma_start3A_59 : memref<1x128xi32, #tpu.memory_space<vmem>> -> memref<128xi32, #tpu.memory_space<vmem>>
      %dma_start3A_61 = arith.constant 0 : i32
      %dma_start3A_62 = arith.constant 0 : i32
      %dma_start3A_63 = tpu.memref_slice %arg4[%dma_start3A_61, %dma_start3A_62] : memref<16384x128xf32, #tpu.memory_space<hbm>> -> memref<16384x128xf32, #tpu.memory_space<hbm>>
      %dma_start3A_64 = tpu.memref_slice %arg12[%dma_start3A_53] : memref<2x!tpu.dma_semaphore, #tpu.memory_space<semaphore_mem>> -> memref<1x!tpu.dma_semaphore, #tpu.memory_space<semaphore_mem>>
      %dma_start3A_65 = tpu.memref_squeeze %dma_start3A_64 : memref<1x!tpu.dma_semaphore, #tpu.memory_space<semaphore_mem>> -> memref<!tpu.dma_semaphore, #tpu.memory_space<semaphore_mem>>
      tpu.enqueue_indirect_dma source(%dma_start3A_63 : memref<16384x128xf32, #tpu.memory_space<hbm>>) target(%dma_start3A_57 : memref<128x128xf32, #tpu.memory_space<vmem>>) offsets(%dma_start3A_60 : memref<128xi32, #tpu.memory_space<vmem>>) semaphore(%dma_start3A_65 : memref<!tpu.dma_semaphore, #tpu.memory_space<semaphore_mem>>)
      %while3A = arith.constant 0 : i32
      %while3A_66 = arith.constant 0 : i32
      %while3A_67 = arith.subi %select_n3A, %while3A : i32
      %while3A_68 = arith.addi %while3A, %while3A_67 : i32
      %while3A_69 = arith.constant 1 : i32
      %while3A_70 = arith.divsi %while3A_67, %while3A_69 : i32
      %while3A_71 = arith.muli %while3A_70, %while3A_69 : i32
      %while3A_72 = arith.addi %while3A, %while3A_71 : i32
      %while3A_73 = arith.constant 1 : i32
      %while3A_74 = scf.for %while3A_98 = %while3A to %while3A_72 step %while3A_73 iter_args(%while3A_99 = %while3A_66) -> (i32)  : i32 {
        %rem3A_100 = arith.constant 2 : i32
        %rem3A_101 = arith.remsi %while3A_98, %rem3A_100 : i32
        %dma_wait3A_102 = arith.constant 0 : i32
        %dma_wait3A_103 = arith.constant 0 : i32
        %dma_wait3A_104 = tpu.memref_slice %arg10[%rem3A_101, %dma_wait3A_102, %dma_wait3A_103] : memref<2x128x128xf32, #tpu.memory_space<vmem>> -> memref<1x128x128xf32, #tpu.memory_space<vmem>>
        %dma_wait3A_105 = tpu.memref_squeeze %dma_wait3A_104 : memref<1x128x128xf32, #tpu.memory_space<vmem>> -> memref<128x128xf32, #tpu.memory_space<vmem>>
        %dma_wait3A_106 = arith.constant 0 : i32
        %dma_wait3A_107 = tpu.memref_slice %arg8[%while3A_98, %dma_wait3A_106] : memref<25x128xi32, #tpu.memory_space<vmem>> -> memref<1x128xi32, #tpu.memory_space<vmem>>
        %dma_wait3A_108 = tpu.memref_squeeze %dma_wait3A_107 : memref<1x128xi32, #tpu.memory_space<vmem>> -> memref<128xi32, #tpu.memory_space<vmem>>
        %dma_wait3A_109 = arith.constant 0 : i32
        %dma_wait3A_110 = arith.constant 0 : i32
        %dma_wait3A_111 = tpu.memref_slice %arg4[%dma_wait3A_109, %dma_wait3A_110] : memref<16384x128xf32, #tpu.memory_space<hbm>> -> memref<16384x128xf32, #tpu.memory_space<hbm>>
        %dma_wait3A_112 = tpu.memref_slice %arg12[%rem3A_101] : memref<2x!tpu.dma_semaphore, #tpu.memory_space<semaphore_mem>> -> memref<1x!tpu.dma_semaphore, #tpu.memory_space<semaphore_mem>>
        %dma_wait3A_113 = tpu.memref_squeeze %dma_wait3A_112 : memref<1x!tpu.dma_semaphore, #tpu.memory_space<semaphore_mem>> -> memref<!tpu.dma_semaphore, #tpu.memory_space<semaphore_mem>>
        tpu.wait_indirect_dma semaphore(%dma_wait3A_113 : memref<!tpu.dma_semaphore, #tpu.memory_space<semaphore_mem>>) src(%dma_wait3A_111 : memref<16384x128xf32, #tpu.memory_space<hbm>>) dst(%dma_wait3A_105 : memref<128x128xf32, #tpu.memory_space<vmem>>)
        %dma_start3A_114 = arith.constant 0 : i32
        %dma_start3A_115 = arith.constant 0 : i32
        %dma_start3A_116 = tpu.memref_slice %arg10[%rem3A_101, %dma_start3A_114, %dma_start3A_115] : memref<2x128x128xf32, #tpu.memory_space<vmem>> -> memref<1x128x128xf32, #tpu.memory_space<vmem>>
        %dma_start3A_117 = tpu.memref_squeeze %dma_start3A_116 : memref<1x128x128xf32, #tpu.memory_space<vmem>> -> memref<128x128xf32, #tpu.memory_space<vmem>>
        %dma_start3A_118 = arith.constant 0 : i32
        %dma_start3A_119 = tpu.memref_slice %arg9[%while3A_98, %dma_start3A_118] : memref<25x128xi32, #tpu.memory_space<vmem>> -> memref<1x128xi32, #tpu.memory_space<vmem>>
        %dma_start3A_120 = tpu.memref_squeeze %dma_start3A_119 : memref<1x128xi32, #tpu.memory_space<vmem>> -> memref<128xi32, #tpu.memory_space<vmem>>
        %dma_start3A_121 = arith.constant 0 : i32
        %dma_start3A_122 = arith.constant 0 : i32
        %dma_start3A_123 = tpu.memref_slice %arg5[%dma_start3A_121, %dma_start3A_122] : memref<100000x128xf32, #tpu.memory_space<hbm>> -> memref<100000x128xf32, #tpu.memory_space<hbm>>
        %dma_start3A_124 = tpu.memref_slice %arg13[%rem3A_101] : memref<2x!tpu.dma_semaphore, #tpu.memory_space<semaphore_mem>> -> memref<1x!tpu.dma_semaphore, #tpu.memory_space<semaphore_mem>>
        %dma_start3A_125 = tpu.memref_squeeze %dma_start3A_124 : memref<1x!tpu.dma_semaphore, #tpu.memory_space<semaphore_mem>> -> memref<!tpu.dma_semaphore, #tpu.memory_space<semaphore_mem>>
        tpu.enqueue_indirect_dma source(%dma_start3A_117 : memref<128x128xf32, #tpu.memory_space<vmem>>) target(%dma_start3A_123 : memref<100000x128xf32, #tpu.memory_space<hbm>>) offsets(%dma_start3A_120 : memref<128xi32, #tpu.memory_space<vmem>>) semaphore(%dma_start3A_125 : memref<!tpu.dma_semaphore, #tpu.memory_space<semaphore_mem>>)
        %add3A_126 = arith.constant 1 : i32
        %add3A_127 = arith.addi %while3A_98, %add3A_126 : i32
        %lt3A = arith.cmpi slt, %add3A_127, %select_n3A : i32
        %convert_element_type3A_128 = arith.extui %lt3A : i1 to i32
        %cond3A_129 = arith.constant 0 : i32
        %cond3A_130 = arith.cmpi ne, %convert_element_type3A_128, %cond3A_129 : i32
        scf.if %cond3A_130 {
          %ge3A_132 = arith.constant 1 : i32
          %ge3A_133 = arith.cmpi sge, %while3A_98, %ge3A_132 : i32
          %convert_element_type3A_134 = arith.extui %ge3A_133 : i1 to i32
          %cond3A_135 = arith.constant 0 : i32
          %cond3A_136 = arith.cmpi ne, %convert_element_type3A_134, %cond3A_135 : i32
          scf.if %cond3A_136 {
            %sub3A_153 = arith.constant 1 : i32
            %sub3A_154 = arith.subi %while3A_98, %sub3A_153 : i32
            %sub3A_155 = arith.constant 1 : i32
            %sub3A_156 = arith.subi %sub3A_155, %rem3A_101 : i32
            %dma_wait3A_157 = arith.constant 0 : i32
            %dma_wait3A_158 = arith.constant 0 : i32
            %dma_wait3A_159 = tpu.memref_slice %arg10[%sub3A_156, %dma_wait3A_157, %dma_wait3A_158] : memref<2x128x128xf32, #tpu.memory_space<vmem>> -> memref<1x128x128xf32, #tpu.memory_space<vmem>>
            %dma_wait3A_160 = tpu.memref_squeeze %dma_wait3A_159 : memref<1x128x128xf32, #tpu.memory_space<vmem>> -> memref<128x128xf32, #tpu.memory_space<vmem>>
            %dma_wait3A_161 = arith.constant 0 : i32
            %dma_wait3A_162 = tpu.memref_slice %arg9[%sub3A_154, %dma_wait3A_161] : memref<25x128xi32, #tpu.memory_space<vmem>> -> memref<1x128xi32, #tpu.memory_space<vmem>>
            %dma_wait3A_163 = tpu.memref_squeeze %dma_wait3A_162 : memref<1x128xi32, #tpu.memory_space<vmem>> -> memref<128xi32, #tpu.memory_space<vmem>>
            %dma_wait3A_164 = arith.constant 0 : i32
            %dma_wait3A_165 = arith.constant 0 : i32
            %dma_wait3A_166 = tpu.memref_slice %arg5[%dma_wait3A_164, %dma_wait3A_165] : memref<100000x128xf32, #tpu.memory_space<hbm>> -> memref<100000x128xf32, #tpu.memory_space<hbm>>
            %dma_wait3A_167 = tpu.memref_slice %arg13[%sub3A_156] : memref<2x!tpu.dma_semaphore, #tpu.memory_space<semaphore_mem>> -> memref<1x!tpu.dma_semaphore, #tpu.memory_space<semaphore_mem>>
            %dma_wait3A_168 = tpu.memref_squeeze %dma_wait3A_167 : memref<1x!tpu.dma_semaphore, #tpu.memory_space<semaphore_mem>> -> memref<!tpu.dma_semaphore, #tpu.memory_space<semaphore_mem>>
            tpu.wait_indirect_dma semaphore(%dma_wait3A_168 : memref<!tpu.dma_semaphore, #tpu.memory_space<semaphore_mem>>) src(%dma_wait3A_160 : memref<128x128xf32, #tpu.memory_space<vmem>>) dst(%dma_wait3A_166 : memref<100000x128xf32, #tpu.memory_space<hbm>>)
          } else {
          }
          %add3A_137 = arith.constant 1 : i32
          %add3A_138 = arith.addi %while3A_98, %add3A_137 : i32
          %sub3A_139 = arith.constant 1 : i32
          %sub3A_140 = arith.subi %sub3A_139, %rem3A_101 : i32
          %dma_start3A_141 = arith.constant 0 : i32
          %dma_start3A_142 = arith.constant 0 : i32
          %dma_start3A_143 = tpu.memref_slice %arg10[%sub3A_140, %dma_start3A_141, %dma_start3A_142] : memref<2x128x128xf32, #tpu.memory_space<vmem>> -> memref<1x128x128xf32, #tpu.memory_space<vmem>>
          %dma_start3A_144 = tpu.memref_squeeze %dma_start3A_143 : memref<1x128x128xf32, #tpu.memory_space<vmem>> -> memref<128x128xf32, #tpu.memory_space<vmem>>
          %dma_start3A_145 = arith.constant 0 : i32
          %dma_start3A_146 = tpu.memref_slice %arg8[%add3A_138, %dma_start3A_145] : memref<25x128xi32, #tpu.memory_space<vmem>> -> memref<1x128xi32, #tpu.memory_space<vmem>>
          %dma_start3A_147 = tpu.memref_squeeze %dma_start3A_146 : memref<1x128xi32, #tpu.memory_space<vmem>> -> memref<128xi32, #tpu.memory_space<vmem>>
          %dma_start3A_148 = arith.constant 0 : i32
          %dma_start3A_149 = arith.constant 0 : i32
          %dma_start3A_150 = tpu.memref_slice %arg4[%dma_start3A_148, %dma_start3A_149] : memref<16384x128xf32, #tpu.memory_space<hbm>> -> memref<16384x128xf32, #tpu.memory_space<hbm>>
          %dma_start3A_151 = tpu.memref_slice %arg12[%sub3A_140] : memref<2x!tpu.dma_semaphore, #tpu.memory_space<semaphore_mem>> -> memref<1x!tpu.dma_semaphore, #tpu.memory_space<semaphore_mem>>
          %dma_start3A_152 = tpu.memref_squeeze %dma_start3A_151 : memref<1x!tpu.dma_semaphore, #tpu.memory_space<semaphore_mem>> -> memref<!tpu.dma_semaphore, #tpu.memory_space<semaphore_mem>>
          tpu.enqueue_indirect_dma source(%dma_start3A_150 : memref<16384x128xf32, #tpu.memory_space<hbm>>) target(%dma_start3A_144 : memref<128x128xf32, #tpu.memory_space<vmem>>) offsets(%dma_start3A_147 : memref<128xi32, #tpu.memory_space<vmem>>) semaphore(%dma_start3A_152 : memref<!tpu.dma_semaphore, #tpu.memory_space<semaphore_mem>>)
        } else {
        }
        %while3A_131 = arith.constant 0 : i32
        scf.yield %while3A_131 : i32
      }
      %while3A_75 = arith.constant 1 : i32
      %while3A_76 = scf.for %while3A_98 = %while3A_72 to %while3A_68 step %while3A_75 iter_args(%while3A_99 = %while3A_74) -> (i32)  : i32 {
        %rem3A_100 = arith.constant 2 : i32
        %rem3A_101 = arith.remsi %while3A_98, %rem3A_100 : i32
        %dma_wait3A_102 = arith.constant 0 : i32
        %dma_wait3A_103 = arith.constant 0 : i32
        %dma_wait3A_104 = tpu.memref_slice %arg10[%rem3A_101, %dma_wait3A_102, %dma_wait3A_103] : memref<2x128x128xf32, #tpu.memory_space<vmem>> -> memref<1x128x128xf32, #tpu.memory_space<vmem>>
        %dma_wait3A_105 = tpu.memref_squeeze %dma_wait3A_104 : memref<1x128x128xf32, #tpu.memory_space<vmem>> -> memref<128x128xf32, #tpu.memory_space<vmem>>
        %dma_wait3A_106 = arith.constant 0 : i32
        %dma_wait3A_107 = tpu.memref_slice %arg8[%while3A_98, %dma_wait3A_106] : memref<25x128xi32, #tpu.memory_space<vmem>> -> memref<1x128xi32, #tpu.memory_space<vmem>>
        %dma_wait3A_108 = tpu.memref_squeeze %dma_wait3A_107 : memref<1x128xi32, #tpu.memory_space<vmem>> -> memref<128xi32, #tpu.memory_space<vmem>>
        %dma_wait3A_109 = arith.constant 0 : i32
        %dma_wait3A_110 = arith.constant 0 : i32
        %dma_wait3A_111 = tpu.memref_slice %arg4[%dma_wait3A_109, %dma_wait3A_110] : memref<16384x128xf32, #tpu.memory_space<hbm>> -> memref<16384x128xf32, #tpu.memory_space<hbm>>
        %dma_wait3A_112 = tpu.memref_slice %arg12[%rem3A_101] : memref<2x!tpu.dma_semaphore, #tpu.memory_space<semaphore_mem>> -> memref<1x!tpu.dma_semaphore, #tpu.memory_space<semaphore_mem>>
        %dma_wait3A_113 = tpu.memref_squeeze %dma_wait3A_112 : memref<1x!tpu.dma_semaphore, #tpu.memory_space<semaphore_mem>> -> memref<!tpu.dma_semaphore, #tpu.memory_space<semaphore_mem>>
        tpu.wait_indirect_dma semaphore(%dma_wait3A_113 : memref<!tpu.dma_semaphore, #tpu.memory_space<semaphore_mem>>) src(%dma_wait3A_111 : memref<16384x128xf32, #tpu.memory_space<hbm>>) dst(%dma_wait3A_105 : memref<128x128xf32, #tpu.memory_space<vmem>>)
        %dma_start3A_114 = arith.constant 0 : i32
        %dma_start3A_115 = arith.constant 0 : i32
        %dma_start3A_116 = tpu.memref_slice %arg10[%rem3A_101, %dma_start3A_114, %dma_start3A_115] : memref<2x128x128xf32, #tpu.memory_space<vmem>> -> memref<1x128x128xf32, #tpu.memory_space<vmem>>
        %dma_start3A_117 = tpu.memref_squeeze %dma_start3A_116 : memref<1x128x128xf32, #tpu.memory_space<vmem>> -> memref<128x128xf32, #tpu.memory_space<vmem>>
        %dma_start3A_118 = arith.constant 0 : i32
        %dma_start3A_119 = tpu.memref_slice %arg9[%while3A_98, %dma_start3A_118] : memref<25x128xi32, #tpu.memory_space<vmem>> -> memref<1x128xi32, #tpu.memory_space<vmem>>
        %dma_start3A_120 = tpu.memref_squeeze %dma_start3A_119 : memref<1x128xi32, #tpu.memory_space<vmem>> -> memref<128xi32, #tpu.memory_space<vmem>>
        %dma_start3A_121 = arith.constant 0 : i32
        %dma_start3A_122 = arith.constant 0 : i32
        %dma_start3A_123 = tpu.memref_slice %arg5[%dma_start3A_121, %dma_start3A_122] : memref<100000x128xf32, #tpu.memory_space<hbm>> -> memref<100000x128xf32, #tpu.memory_space<hbm>>
        %dma_start3A_124 = tpu.memref_slice %arg13[%rem3A_101] : memref<2x!tpu.dma_semaphore, #tpu.memory_space<semaphore_mem>> -> memref<1x!tpu.dma_semaphore, #tpu.memory_space<semaphore_mem>>
        %dma_start3A_125 = tpu.memref_squeeze %dma_start3A_124 : memref<1x!tpu.dma_semaphore, #tpu.memory_space<semaphore_mem>> -> memref<!tpu.dma_semaphore, #tpu.memory_space<semaphore_mem>>
        tpu.enqueue_indirect_dma source(%dma_start3A_117 : memref<128x128xf32, #tpu.memory_space<vmem>>) target(%dma_start3A_123 : memref<100000x128xf32, #tpu.memory_space<hbm>>) offsets(%dma_start3A_120 : memref<128xi32, #tpu.memory_space<vmem>>) semaphore(%dma_start3A_125 : memref<!tpu.dma_semaphore, #tpu.memory_space<semaphore_mem>>)
        %add3A_126 = arith.constant 1 : i32
        %add3A_127 = arith.addi %while3A_98, %add3A_126 : i32
        %lt3A = arith.cmpi slt, %add3A_127, %select_n3A : i32
        %convert_element_type3A_128 = arith.extui %lt3A : i1 to i32
        %cond3A_129 = arith.constant 0 : i32
        %cond3A_130 = arith.cmpi ne, %convert_element_type3A_128, %cond3A_129 : i32
        scf.if %cond3A_130 {
          %ge3A_132 = arith.constant 1 : i32
          %ge3A_133 = arith.cmpi sge, %while3A_98, %ge3A_132 : i32
          %convert_element_type3A_134 = arith.extui %ge3A_133 : i1 to i32
          %cond3A_135 = arith.constant 0 : i32
          %cond3A_136 = arith.cmpi ne, %convert_element_type3A_134, %cond3A_135 : i32
          scf.if %cond3A_136 {
            %sub3A_153 = arith.constant 1 : i32
            %sub3A_154 = arith.subi %while3A_98, %sub3A_153 : i32
            %sub3A_155 = arith.constant 1 : i32
            %sub3A_156 = arith.subi %sub3A_155, %rem3A_101 : i32
            %dma_wait3A_157 = arith.constant 0 : i32
            %dma_wait3A_158 = arith.constant 0 : i32
            %dma_wait3A_159 = tpu.memref_slice %arg10[%sub3A_156, %dma_wait3A_157, %dma_wait3A_158] : memref<2x128x128xf32, #tpu.memory_space<vmem>> -> memref<1x128x128xf32, #tpu.memory_space<vmem>>
            %dma_wait3A_160 = tpu.memref_squeeze %dma_wait3A_159 : memref<1x128x128xf32, #tpu.memory_space<vmem>> -> memref<128x128xf32, #tpu.memory_space<vmem>>
            %dma_wait3A_161 = arith.constant 0 : i32
            %dma_wait3A_162 = tpu.memref_slice %arg9[%sub3A_154, %dma_wait3A_161] : memref<25x128xi32, #tpu.memory_space<vmem>> -> memref<1x128xi32, #tpu.memory_space<vmem>>
            %dma_wait3A_163 = tpu.memref_squeeze %dma_wait3A_162 : memref<1x128xi32, #tpu.memory_space<vmem>> -> memref<128xi32, #tpu.memory_space<vmem>>
            %dma_wait3A_164 = arith.constant 0 : i32
            %dma_wait3A_165 = arith.constant 0 : i32
            %dma_wait3A_166 = tpu.memref_slice %arg5[%dma_wait3A_164, %dma_wait3A_165] : memref<100000x128xf32, #tpu.memory_space<hbm>> -> memref<100000x128xf32, #tpu.memory_space<hbm>>
            %dma_wait3A_167 = tpu.memref_slice %arg13[%sub3A_156] : memref<2x!tpu.dma_semaphore, #tpu.memory_space<semaphore_mem>> -> memref<1x!tpu.dma_semaphore, #tpu.memory_space<semaphore_mem>>
            %dma_wait3A_168 = tpu.memref_squeeze %dma_wait3A_167 : memref<1x!tpu.dma_semaphore, #tpu.memory_space<semaphore_mem>> -> memref<!tpu.dma_semaphore, #tpu.memory_space<semaphore_mem>>
            tpu.wait_indirect_dma semaphore(%dma_wait3A_168 : memref<!tpu.dma_semaphore, #tpu.memory_space<semaphore_mem>>) src(%dma_wait3A_160 : memref<128x128xf32, #tpu.memory_space<vmem>>) dst(%dma_wait3A_166 : memref<100000x128xf32, #tpu.memory_space<hbm>>)
          } else {
          }
          %add3A_137 = arith.constant 1 : i32
          %add3A_138 = arith.addi %while3A_98, %add3A_137 : i32
          %sub3A_139 = arith.constant 1 : i32
          %sub3A_140 = arith.subi %sub3A_139, %rem3A_101 : i32
          %dma_start3A_141 = arith.constant 0 : i32
          %dma_start3A_142 = arith.constant 0 : i32
          %dma_start3A_143 = tpu.memref_slice %arg10[%sub3A_140, %dma_start3A_141, %dma_start3A_142] : memref<2x128x128xf32, #tpu.memory_space<vmem>> -> memref<1x128x128xf32, #tpu.memory_space<vmem>>
          %dma_start3A_144 = tpu.memref_squeeze %dma_start3A_143 : memref<1x128x128xf32, #tpu.memory_space<vmem>> -> memref<128x128xf32, #tpu.memory_space<vmem>>
          %dma_start3A_145 = arith.constant 0 : i32
          %dma_start3A_146 = tpu.memref_slice %arg8[%add3A_138, %dma_start3A_145] : memref<25x128xi32, #tpu.memory_space<vmem>> -> memref<1x128xi32, #tpu.memory_space<vmem>>
          %dma_start3A_147 = tpu.memref_squeeze %dma_start3A_146 : memref<1x128xi32, #tpu.memory_space<vmem>> -> memref<128xi32, #tpu.memory_space<vmem>>
          %dma_start3A_148 = arith.constant 0 : i32
          %dma_start3A_149 = arith.constant 0 : i32
          %dma_start3A_150 = tpu.memref_slice %arg4[%dma_start3A_148, %dma_start3A_149] : memref<16384x128xf32, #tpu.memory_space<hbm>> -> memref<16384x128xf32, #tpu.memory_space<hbm>>
          %dma_start3A_151 = tpu.memref_slice %arg12[%sub3A_140] : memref<2x!tpu.dma_semaphore, #tpu.memory_space<semaphore_mem>> -> memref<1x!tpu.dma_semaphore, #tpu.memory_space<semaphore_mem>>
          %dma_start3A_152 = tpu.memref_squeeze %dma_start3A_151 : memref<1x!tpu.dma_semaphore, #tpu.memory_space<semaphore_mem>> -> memref<!tpu.dma_semaphore, #tpu.memory_space<semaphore_mem>>
          tpu.enqueue_indirect_dma source(%dma_start3A_150 : memref<16384x128xf32, #tpu.memory_space<hbm>>) target(%dma_start3A_144 : memref<128x128xf32, #tpu.memory_space<vmem>>) offsets(%dma_start3A_147 : memref<128xi32, #tpu.memory_space<vmem>>) semaphore(%dma_start3A_152 : memref<!tpu.dma_semaphore, #tpu.memory_space<semaphore_mem>>)
        } else {
        }
        %while3A_131 = arith.constant 0 : i32
        scf.yield %while3A_131 : i32
      }
      %ge3A = arith.constant 2 : i32
      %ge3A_77 = arith.cmpi sge, %select_n3A, %ge3A : i32
      %convert_element_type3A_78 = arith.extui %ge3A_77 : i1 to i32
      %cond3A_79 = arith.constant 0 : i32
      %cond3A_80 = arith.cmpi ne, %convert_element_type3A_78, %cond3A_79 : i32
      scf.if %cond3A_80 {
        %sub3A_98 = arith.constant 2 : i32
        %sub3A_99 = arith.subi %select_n3A, %sub3A_98 : i32
        %sub3A_100 = arith.constant 2 : i32
        %sub3A_101 = arith.subi %select_n3A, %sub3A_100 : i32
        %rem3A_102 = arith.constant 2 : i32
        %rem3A_103 = arith.remsi %sub3A_101, %rem3A_102 : i32
        %dma_wait3A_104 = arith.constant 0 : i32
        %dma_wait3A_105 = arith.constant 0 : i32
        %dma_wait3A_106 = tpu.memref_slice %arg10[%rem3A_103, %dma_wait3A_104, %dma_wait3A_105] : memref<2x128x128xf32, #tpu.memory_space<vmem>> -> memref<1x128x128xf32, #tpu.memory_space<vmem>>
        %dma_wait3A_107 = tpu.memref_squeeze %dma_wait3A_106 : memref<1x128x128xf32, #tpu.memory_space<vmem>> -> memref<128x128xf32, #tpu.memory_space<vmem>>
        %dma_wait3A_108 = arith.constant 0 : i32
        %dma_wait3A_109 = tpu.memref_slice %arg9[%sub3A_99, %dma_wait3A_108] : memref<25x128xi32, #tpu.memory_space<vmem>> -> memref<1x128xi32, #tpu.memory_space<vmem>>
        %dma_wait3A_110 = tpu.memref_squeeze %dma_wait3A_109 : memref<1x128xi32, #tpu.memory_space<vmem>> -> memref<128xi32, #tpu.memory_space<vmem>>
        %dma_wait3A_111 = arith.constant 0 : i32
        %dma_wait3A_112 = arith.constant 0 : i32
        %dma_wait3A_113 = tpu.memref_slice %arg5[%dma_wait3A_111, %dma_wait3A_112] : memref<100000x128xf32, #tpu.memory_space<hbm>> -> memref<100000x128xf32, #tpu.memory_space<hbm>>
        %dma_wait3A_114 = tpu.memref_slice %arg13[%rem3A_103] : memref<2x!tpu.dma_semaphore, #tpu.memory_space<semaphore_mem>> -> memref<1x!tpu.dma_semaphore, #tpu.memory_space<semaphore_mem>>
        %dma_wait3A_115 = tpu.memref_squeeze %dma_wait3A_114 : memref<1x!tpu.dma_semaphore, #tpu.memory_space<semaphore_mem>> -> memref<!tpu.dma_semaphore, #tpu.memory_space<semaphore_mem>>
        tpu.wait_indirect_dma semaphore(%dma_wait3A_115 : memref<!tpu.dma_semaphore, #tpu.memory_space<semaphore_mem>>) src(%dma_wait3A_107 : memref<128x128xf32, #tpu.memory_space<vmem>>) dst(%dma_wait3A_113 : memref<100000x128xf32, #tpu.memory_space<hbm>>)
      } else {
      }
      %sub3A_81 = arith.constant 1 : i32
      %sub3A_82 = arith.subi %select_n3A, %sub3A_81 : i32
      %sub3A_83 = arith.constant 1 : i32
      %sub3A_84 = arith.subi %select_n3A, %sub3A_83 : i32
      %rem3A_85 = arith.constant 2 : i32
      %rem3A_86 = arith.remsi %sub3A_84, %rem3A_85 : i32
      %dma_wait3A = arith.constant 0 : i32
      %dma_wait3A_87 = arith.constant 0 : i32
      %dma_wait3A_88 = tpu.memref_slice %arg10[%rem3A_86, %dma_wait3A, %dma_wait3A_87] : memref<2x128x128xf32, #tpu.memory_space<vmem>> -> memref<1x128x128xf32, #tpu.memory_space<vmem>>
      %dma_wait3A_89 = tpu.memref_squeeze %dma_wait3A_88 : memref<1x128x128xf32, #tpu.memory_space<vmem>> -> memref<128x128xf32, #tpu.memory_space<vmem>>
      %dma_wait3A_90 = arith.constant 0 : i32
      %dma_wait3A_91 = tpu.memref_slice %arg9[%sub3A_82, %dma_wait3A_90] : memref<25x128xi32, #tpu.memory_space<vmem>> -> memref<1x128xi32, #tpu.memory_space<vmem>>
      %dma_wait3A_92 = tpu.memref_squeeze %dma_wait3A_91 : memref<1x128xi32, #tpu.memory_space<vmem>> -> memref<128xi32, #tpu.memory_space<vmem>>
      %dma_wait3A_93 = arith.constant 0 : i32
      %dma_wait3A_94 = arith.constant 0 : i32
      %dma_wait3A_95 = tpu.memref_slice %arg5[%dma_wait3A_93, %dma_wait3A_94] : memref<100000x128xf32, #tpu.memory_space<hbm>> -> memref<100000x128xf32, #tpu.memory_space<hbm>>
      %dma_wait3A_96 = tpu.memref_slice %arg13[%rem3A_86] : memref<2x!tpu.dma_semaphore, #tpu.memory_space<semaphore_mem>> -> memref<1x!tpu.dma_semaphore, #tpu.memory_space<semaphore_mem>>
      %dma_wait3A_97 = tpu.memref_squeeze %dma_wait3A_96 : memref<1x!tpu.dma_semaphore, #tpu.memory_space<semaphore_mem>> -> memref<!tpu.dma_semaphore, #tpu.memory_space<semaphore_mem>>
      tpu.wait_indirect_dma semaphore(%dma_wait3A_97 : memref<!tpu.dma_semaphore, #tpu.memory_space<semaphore_mem>>) src(%dma_wait3A_89 : memref<128x128xf32, #tpu.memory_space<vmem>>) dst(%dma_wait3A_95 : memref<100000x128xf32, #tpu.memory_space<hbm>>)
    } else {
    }
    return
  }
}

module attributes {stable_mosaic.version = 14 : i64} {
  func.func @_tc_body(%arg0: i32, %arg1: memref<64x1024xf32, #tpu.memory_space<vmem>>, %arg2: memref<64x1024xf32, #tpu.memory_space<vmem>>, %arg3: memref<1x1x1024xf32, #tpu.memory_space<vmem>>, %arg4: memref<64x6400xf32, #tpu.memory_space<vmem>>, %arg5: memref<1024x128xf32, #tpu.memory_space<vmem>>, %arg6: memref<6400x128xf32, #tpu.memory_space<vmem>>) attributes {dimension_semantics = [#tpu.dimension_semantics<arbitrary>], iteration_bounds = array<i64: 16>, scalar_prefetch = 0 : i64, scratch_operands = 0 : i64, tpu.core_type = #tpu.core_type<tc>, window_params = [{transform_indices = @transform_0, window_bounds = array<i64: 64, 1024>}, {pipeline_mode = #tpu.pipeline_mode<synchronous>, transform_indices = @transform_1, window_bounds = array<i64: 64, 1024>}, {transform_indices = @transform_2, window_bounds = array<i64: 1, 1, 1024>}, {transform_indices = @transform_3, window_bounds = array<i64: 64, 6400>}, {transform_indices = @transform_4, window_bounds = array<i64: 1024, 128>}, {transform_indices = @transform_5, window_bounds = array<i64: 6400, 128>}]} {
    %get3A = arith.constant 0 : index
    %get3A_0 = arith.constant 0 : index
    %get3A_1 = vector.load %arg1[%get3A, %get3A_0] : memref<64x1024xf32, #tpu.memory_space<vmem>>, vector<64x1024xf32>
    %transpose3A = tpu.transpose %get3A_1, [1, 0] : vector<64x1024xf32> -> vector<1024x64xf32>
    %get3A_2 = arith.constant 0 : index
    %get3A_3 = arith.constant 0 : index
    %get3A_4 = vector.load %arg2[%get3A_2, %get3A_3] : memref<64x1024xf32, #tpu.memory_space<vmem>>, vector<64x1024xf32>
    %transpose3A_5 = tpu.transpose %get3A_4, [1, 0] : vector<64x1024xf32> -> vector<1024x64xf32>
    %mul3A = arith.mulf %transpose3A, %transpose3A : vector<1024x64xf32>
    %reduce_sum3A = arith.constant dense<0.000000e+00> : vector<1024xf32>
    %reduce_sum3A_6 = vector.multi_reduction <add>, %mul3A, %reduce_sum3A [1] : vector<1024x64xf32> to vector<1024xf32>
    %broadcast_in_dim3A = vector.shape_cast %reduce_sum3A_6 : vector<1024xf32> to vector<1024x1xf32>
    %mul3A_7 = arith.mulf %transpose3A_5, %transpose3A_5 : vector<1024x64xf32>
    %reduce_sum3A_8 = arith.constant dense<0.000000e+00> : vector<1024xf32>
    %reduce_sum3A_9 = vector.multi_reduction <add>, %mul3A_7, %reduce_sum3A_8 [1] : vector<1024x64xf32> to vector<1024xf32>
    %broadcast_in_dim3A_10 = vector.shape_cast %reduce_sum3A_9 : vector<1024xf32> to vector<1x1024xf32>
    %dot_general3A = arith.constant dense<0.000000e+00> : vector<1024x1024xf32>
    %dot_general3A_11 = tpu.matmul %transpose3A, %transpose3A_5, %dot_general3A {dimension_numbers = #tpu.dot_dimension_numbers<[1], [1], [0], [0], [0, 0, 1, 0], [], []>, transpose_lhs_hint = false} : vector<1024x64xf32>, vector<1024x64xf32>, vector<1024x1024xf32> -> vector<1024x1024xf32>
    %mul3A_12 = arith.constant 2.000000e+00 : f32
    %mul3A_13 = vector.broadcast %mul3A_12 : f32 to vector<1024x1024xf32>
    %mul3A_14 = arith.mulf %mul3A_13, %dot_general3A_11 : vector<1024x1024xf32>
    %sub3A = vector.broadcast %broadcast_in_dim3A : vector<1024x1xf32> to vector<1024x1024xf32>
    %sub3A_15 = arith.subf %sub3A, %mul3A_14 : vector<1024x1024xf32>
    %add3A = vector.broadcast %broadcast_in_dim3A_10 : vector<1x1024xf32> to vector<1024x1024xf32>
    %add3A_16 = arith.addf %sub3A_15, %add3A : vector<1024x1024xf32>
    %reduce_min3A = arith.constant dense<0x7F800000> : vector<1024xf32>
    %reduce_min3A_17 = vector.multi_reduction <minimumf>, %add3A_16, %reduce_min3A [1] : vector<1024x1024xf32> to vector<1024xf32>
    %broadcast_in_dim3A_18 = vector.shape_cast %reduce_min3A_17 : vector<1024xf32> to vector<1024x1xf32>
    %iota3A = tpu.iota {dimensions = array<i32: 1>} : vector<1024x1024xi32>
    %eq3A = vector.broadcast %broadcast_in_dim3A_18 : vector<1024x1xf32> to vector<1024x1024xf32>
    %eq3A_19 = arith.cmpf oeq, %add3A_16, %eq3A : vector<1024x1024xf32>
    %jit3A = arith.constant 1024 : i32
    %broadcast_in_dim3A_20 = vector.broadcast %jit3A : i32 to vector<1024x1024xi32>
    %select_n3A = arith.select %eq3A_19, %iota3A, %broadcast_in_dim3A_20 : vector<1024x1024xi1>, vector<1024x1024xi32>
    %reduce_min3A_21 = arith.constant dense<2147483647> : vector<1024xi32>
    %reduce_min3A_22 = vector.multi_reduction <minsi>, %select_n3A, %reduce_min3A_21 [1] : vector<1024x1024xi32> to vector<1024xi32>
    %broadcast_in_dim3A_23 = vector.shape_cast %reduce_min3A_22 : vector<1024xi32> to vector<1024x1xi32>
    %eq3A_24 = vector.broadcast %broadcast_in_dim3A_23 : vector<1024x1xi32> to vector<1024x1024xi32>
    %eq3A_25 = arith.cmpi eq, %iota3A, %eq3A_24 : vector<1024x1024xi32>
    %convert_element_type3A = arith.extui %eq3A_25 : vector<1024x1024xi1> to vector<1024x1024xi32>
    %convert_element_type3A_26 = arith.sitofp %convert_element_type3A : vector<1024x1024xi32> to vector<1024x1024xf32>
    %dot_general3A_27 = arith.constant dense<0.000000e+00> : vector<1024x64xf32>
    %dot_general3A_28 = tpu.matmul %convert_element_type3A_26, %transpose3A_5, %dot_general3A_27 {dimension_numbers = #tpu.dot_dimension_numbers<[1], [0], [0], [1], [0, 0, 1, 1], [], []>, transpose_lhs_hint = false} : vector<1024x1024xf32>, vector<1024x64xf32>, vector<1024x64xf32> -> vector<1024x64xf32>
    %get3A_29 = arith.constant 0 : index
    %get3A_30 = arith.constant 0 : index
    %get3A_31 = arith.constant 0 : index
    %get3A_32 = vector.load %arg3[%get3A_29, %get3A_30, %get3A_31] : memref<1x1x1024xf32, #tpu.memory_space<vmem>>, vector<1x1x1024xf32>
    %get3A_33 = vector.shape_cast %get3A_32 : vector<1x1x1024xf32> to vector<1024xf32>
    %logistic3A = arith.negf %get3A_33 : vector<1024xf32>
    %logistic3A_34 = math.exp %logistic3A : vector<1024xf32>
    %logistic3A_35 = arith.constant 1.000000e+00 : f32
    %logistic3A_36 = vector.broadcast %logistic3A_35 : f32 to vector<1024xf32>
    %logistic3A_37 = arith.addf %logistic3A_36, %logistic3A_34 : vector<1024xf32>
    %logistic3A_38 = arith.divf %logistic3A_36, %logistic3A_37 : vector<1024xf32>
    %broadcast_in_dim3A_39 = vector.shape_cast %logistic3A_38 : vector<1024xf32> to vector<1024x1xf32>
    %mul3A_40 = vector.broadcast %broadcast_in_dim3A_39 : vector<1024x1xf32> to vector<1024x64xf32>
    %mul3A_41 = arith.mulf %mul3A_40, %transpose3A : vector<1024x64xf32>
    %sub3A_42 = arith.constant 1.000000e+00 : f32
    %sub3A_43 = vector.broadcast %sub3A_42 : f32 to vector<1024x1xf32>
    %sub3A_44 = arith.subf %sub3A_43, %broadcast_in_dim3A_39 : vector<1024x1xf32>
    %mul3A_45 = vector.broadcast %sub3A_44 : vector<1024x1xf32> to vector<1024x64xf32>
    %mul3A_46 = arith.mulf %mul3A_45, %dot_general3A_28 : vector<1024x64xf32>
    %add3A_47 = arith.addf %mul3A_41, %mul3A_46 : vector<1024x64xf32>
    %broadcast_in_dim3A_48 = arith.constant 0.000000e+00 : f32
    %broadcast_in_dim3A_49 = vector.broadcast %broadcast_in_dim3A_48 : f32 to vector<1024x64xf32>
    %concatenate3A = tpu.concatenate %add3A_47, %broadcast_in_dim3A_49 in 1 : vector<1024x64xf32>, vector<1024x64xf32> -> vector<1024x128xf32>
    %swap3A = arith.constant 0 : index
    %swap3A_50 = arith.constant 0 : index
    %swap3A_51 = vector.load %arg5[%swap3A, %swap3A_50] : memref<1024x128xf32, #tpu.memory_space<vmem>>, vector<1024x128xf32>
    tpu.vector_store %arg5[%swap3A, %swap3A_50], %concatenate3A {strides = array<i32>} : memref<1024x128xf32, #tpu.memory_space<vmem>>, vector<1024x128xf32>,
    %get3A_52 = arith.constant 0 : index
    %get3A_53 = arith.constant 0 : index
    %get3A_54 = vector.load %arg4[%get3A_52, %get3A_53] : memref<64x6400xf32, #tpu.memory_space<vmem>>, vector<64x6400xf32>
    %transpose3A_55 = tpu.transpose %get3A_54, [1, 0] : vector<64x6400xf32> -> vector<6400x64xf32>
    %broadcast_in_dim3A_56 = arith.constant 0.000000e+00 : f32
    %broadcast_in_dim3A_57 = vector.broadcast %broadcast_in_dim3A_56 : f32 to vector<6400x64xf32>
    %concatenate3A_58 = tpu.concatenate %transpose3A_55, %broadcast_in_dim3A_57 in 1 : vector<6400x64xf32>, vector<6400x64xf32> -> vector<6400x128xf32>
    %swap3A_59 = arith.constant 0 : index
    %swap3A_60 = arith.constant 0 : index
    %swap3A_61 = vector.load %arg6[%swap3A_59, %swap3A_60] : memref<6400x128xf32, #tpu.memory_space<vmem>>, vector<6400x128xf32>
    tpu.vector_store %arg6[%swap3A_59, %swap3A_60], %concatenate3A_58 {strides = array<i32>} : memref<6400x128xf32, #tpu.memory_space<vmem>>, vector<6400x128xf32>,
    return
  }
  func.func @transform_0(%arg0: i32) -> (i32, i32) {
    %c0_i32 = arith.constant 0 : i32
    %c0_i32_0 = arith.constant 0 : i32
    return %c0_i32, %arg0 : i32, i32
  }
  func.func @transform_1(%arg0: i32) -> (i32, i32) {
    %c0_i32 = arith.constant 0 : i32
    %c0_i32_0 = arith.constant 0 : i32
    %c0_i32_1 = arith.constant 0 : i32
    return %c0_i32, %c0_i32_0 : i32, i32
  }
  func.func @transform_2(%arg0: i32) -> (i32, i32, i32) {
    %c0_i32 = arith.constant 0 : i32
    %c0_i32_0 = arith.constant 0 : i32
    %c0_i32_1 = arith.constant 0 : i32
    return %arg0, %c0_i32, %c0_i32_0 : i32, i32, i32
  }
  func.func @transform_3(%arg0: i32) -> (i32, i32) {
    %c0_i32 = arith.constant 0 : i32
    %c0_i32_0 = arith.constant 0 : i32
    return %c0_i32, %arg0 : i32, i32
  }
  func.func @transform_4(%arg0: i32) -> (i32, i32) {
    %c0_i32 = arith.constant 0 : i32
    %c0_i32_0 = arith.constant 0 : i32
    return %arg0, %c0_i32 : i32, i32
  }
  func.func @transform_5(%arg0: i32) -> (i32, i32) {
    %c0_i32 = arith.constant 0 : i32
    %c0_i32_0 = arith.constant 0 : i32
    return %arg0, %c0_i32 : i32, i32
  }
}

</mosaic_0001>

<sc_bundles>
// kernel: kernel.4.cloned.1.call-start
scs
__scs_entry_jumppad:
0x0: {  	(pc) =	sbr.rel $0x88, $3  }
0x1: {  	(tag) =	ssettag $0x0;
	lr =	simm.s32 $0x1  }
0x2: {  	[smem:$0x3F9C] =	sst lr;
	_ =	strace $0xD0000000  }
0x3: {  	_ = 	snop  }
0x4: {  	_ = 	snop  }
0x5: {  	_ = 	snop  }
0x6: {  	_ = 	snop  }
0x7: {  	_ = 	snop  }
__scs_overlays_trampoline_lowered:
0x8: {  	[smem:$0x3FAB] =	sst s0  }
0x9: {  	[smem:$0x3FAC] =	sst s1  }
0xa: {  	[smem:$0x3FAD] =	sst s2  }
0xb: {  	[smem:$0x3FAE] =	sst s3  }
0xc: {  	[smem:$0x3FAF] =	sst s4  }
0xd: {  	[smem:$0x3FB0] =	sst s5  }
0xe: {  	[smem:$0x3FB1] =	sst s6  }
0xf: {  	[smem:$0x3FB2] =	sst s7  }
0x10: {  	[smem:$0x3FB3] =	sst s8  }
0x11: {  	[smem:$0x3FB4] =	sst s9;
	s0 =	simm.s32 @!p0 $0x0  }
0x12: {  	s1 =	sld [smem:$0x3F9A];
	s0 =	simm.s32 @p0 $0x1  }
0x13: {  	[smem:$0x3FB5] =	sst s0;
	s0 =	simm.s32 @!p1 $0x0  }
0x14: {  	s2 =	sld [smem:$0x3F99];
	s0 =	simm.s32 @p1 $0x1  }
0x15: {  	[smem:$0x3FB6] =	sst s0;
	s0 =	simm.s32 @!p2 $0x0  }
0x16: {  	s3 =	sld [smem:$0x3FDB];
	s0 =	simm.s32 @p2 $0x1  }
0x17: {  	s4 =	simm.s32 $0x1BF5;
	[smem:$0x3FB8] =	sst s0  }
0x18: {  	s0 =	sld [smem:$0x3F9B];
	_ =	swait.ge [sflag:s4], $0x0  }
0x19: {  	s7 =	sld [smem:$0x3F9C]  }
0x1a: {  	s8 =	sadd.s32 $0xFFFFE003, lr  }
0x1b: {  	s9 =	sadd.s32 $0xFFFFFEF7, lr;
	s5 =	simm.s32 $0xFFFFFFFF;
	p2 =	slt.u32 s8, $0xFFFFF086  }
0x1c: {  	p1 =	slt.u32 s9, $0xF7A;
	s5 =	simm.s32 @!p2 $0x0  }
0x1d: {  	s5 =	simm.s32 @p1 $0x1;
	p0 =	seq.s32 s7, s2  }
0x1e: {  	s7 =	smul.u32 @!p0 $0xF7A, s2;
	p2 =	seq.s32 @!p0 s5, $0x0  }
0x1f: {  	s9 =	smul.u32 $0xF7A, s1;
	s8 =	simm.s32 @!p0 $0x1BF5;
	p2 =	por !p2, p0  }
0x20: {  	[sflag:s8] =	ssyncset.s32 @!p0 $0xFFFFF086;
	s6 =	sadd.s32 @!p0 s3, s7;
	s7 =	simm.s32 @!p0 $0x108  }
0x21: {  	s3 =	sadd.s32 s3, s9;
	s6 =	sadd.s32 @!p0 $0x88, s6;
	s7 =	simm.s32 @p2 $0x1082  }
0x22: {  	[simem:s7], [sflag:s8] =	dma.local @!p0 [hbm:s6], $0xF7A  }
0x23: {  	s9 =	sor.u32 $0xD0000000, s2;
	s6 =	simm.s32 $0x108;
	_ =	swait.ge @!p0 [sflag:s8], $0x0  }
0x24: {  	s3 =	sadd.s32 $0x88, s3;
	s6 =	simm.s32 @!p1 $0x1082;
	[sflag:s4] =	ssyncset.s32 $0xFFFFF086  }
0x25: {  	[simem:s6], [sflag:s4] =	dma.local [hbm:s3], $0xF7A  }
0x26: {  	[smem:$0x3F9C] =	sst s1;
	(tag) =	ssettag s2;
	_ =	strace s9  }
0x27: {  	s1 =	sld [smem:$0x3FAC]  }
0x28: {  	s2 =	sld [smem:$0x3FAD]  }
0x29: {  	s4 =	sld [smem:$0x3FAF]  }
0x2a: {  	p0 =	seq.s32 s5, $0x0;
	s5 =	sld [smem:$0x3FB0]  }
0x2b: {  	s6 =	sld [smem:$0x3FB1]  }
0x2c: {  	s7 =	sld [smem:$0x3FB2]  }
0x2d: {  	s3 =	simm.s32 $0x108;
	s8 =	sld [smem:$0x3FB3]  }
0x2e: {  	s3 =	simm.s32 @!p0 $0x1082;
	s9 =	sld [smem:$0x3FB4]  }
0x2f: {  	lr =	sadd.s32 s0, s3;
	s0 =	sld [smem:$0x3FAB]  }
0x30: {  	s3 =	sld [smem:$0x3FAE]  }
0x31: {  	[smem:$0x3FB7] =	sst s10  }
0x32: {  	s10 =	sld [smem:$0x3FB5];
	_ =	sdelay $0x3  }
0x33: {  	p0 =	seq.s32 s10, $0x1;
	s10 =	sld [smem:$0x3FB7];
	_ =	sdelay $0x3  }
0x34: {  	[smem:$0x3FB7] =	sst s10  }
0x35: {  	s10 =	sld [smem:$0x3FB6];
	_ =	sdelay $0x3  }
0x36: {  	p1 =	seq.s32 s10, $0x1;
	s10 =	sld [smem:$0x3FB7];
	_ =	sdelay $0x3  }
0x37: {  	[smem:$0x3FB7] =	sst s10  }
0x38: {  	s10 =	sld [smem:$0x3FB8]  }
0x39: {  	_ = 	snop;
	(pc) =	sbr.ind lr, $3  }
0x3a: {  	_ = 	snop  }
0x3b: {  	_ = 	snop  }
0x3c: {  	p2 =	seq.s32 s10, $0x1;
	s10 =	sld [smem:$0x3FB7]  }
0x3d: {  	_ =	shalt  }
0x3e: {  	_ =	shalt  }
0x3f: {  	_ =	shalt  }
0x40: {  	_ =	shalt  }
0x41: {  	_ =	shalt  }
0x42: {  	_ =	shalt  }
0x43: {  	_ =	shalt  }
0x44: {  	_ =	shalt  }
0x45: {  	_ =	shalt  }
0x46: {  	_ =	shalt  }
0x47: {  	_ =	shalt  }
0x48: {  	_ =	shalt  }
0x49: {  	_ =	shalt  }
0x4a: {  	_ =	shalt  }
0x4b: {  	_ =	shalt  }
0x4c: {  	_ =	shalt  }
0x4d: {  	_ =	shalt  }
0x4e: {  	_ =	shalt  }
0x4f: {  	_ =	shalt  }
0x50: {  	_ =	shalt  }
0x51: {  	_ =	shalt  }
0x52: {  	_ =	shalt  }
0x53: {  	_ =	shalt  }
0x54: {  	_ =	shalt  }
0x55: {  	_ =	shalt  }
0x56: {  	_ =	shalt  }
0x57: {  	_ =	shalt  }
0x58: {  	_ =	shalt  }
0x59: {  	_ =	shalt  }
0x5a: {  	_ =	shalt  }
0x5b: {  	_ =	shalt  }
0x5c: {  	_ =	shalt  }
0x5d: {  	_ =	shalt  }
0x5e: {  	_ =	shalt  }
0x5f: {  	_ =	shalt  }
0x60: {  	_ =	shalt  }
0x61: {  	_ =	shalt  }
0x62: {  	_ =	shalt  }
0x63: {  	_ =	shalt  }
0x64: {  	_ =	shalt  }
0x65: {  	_ =	shalt  }
0x66: {  	_ =	shalt  }
0x67: {  	_ =	shalt  }
0x68: {  	_ =	shalt  }
0x69: {  	_ =	shalt  }
0x6a: {  	_ =	shalt  }
0x6b: {  	_ =	shalt  }
0x6c: {  	_ =	shalt  }
0x6d: {  	_ =	shalt  }
0x6e: {  	_ =	shalt  }
0x6f: {  	_ =	shalt  }
0x70: {  	_ =	shalt  }
0x71: {  	_ =	shalt  }
0x72: {  	_ =	shalt  }
0x73: {  	_ =	shalt  }
0x74: {  	_ =	shalt  }
0x75: {  	_ =	shalt  }
0x76: {  	_ =	shalt  }
0x77: {  	_ =	shalt  }
0x78: {  	_ =	shalt  }
0x79: {  	_ =	shalt  }
0x7a: {  	_ =	shalt  }
0x7b: {  	_ =	shalt  }
0x7c: {  	_ =	shalt  }
0x7d: {  	_ =	shalt  }
0x7e: {  	_ =	shalt  }
0x7f: {  	_ =	shalt  }
0x80: {  	_ =	shalt  }
0x81: {  	_ =	shalt  }
0x82: {  	_ =	shalt  }
0x83: {  	_ =	shalt  }
0x84: {  	_ =	shalt  }
0x85: {  	_ =	shalt  }
0x86: {  	_ =	shalt  }
0x87: {  	_ =	shalt  }
.Lfunc_end0:
.L_simem_size_0:
called_computation_lowered:
.L_overlay_start_0:
0x88: {  	s2 =	sld [smem:$0x3FD9]  }
0x89: {  	s3 =	sld [smem:$0x3FFE];
	_ =	sdelay $0x1  }
0x8a: {  	s1 =	srdreg.scid  }
0x8b: {  	s0 =	sand.u32 $0x1, s1  }
0x8c: {  	s17 =	sshll.u32 s0, $0xA;
	s2 =	sadd.s32 s3, s2  }
0x8d: {  	s2 =	sadd.s32 s2, s17  }
0x8e: {  	[smem:$0x3FC3] =	sst s2  }
0x8f: {  	_ = 	snop  }
0x90: {  	s2 =	sld [smem:$0x3FC5]  }
0x91: {  	s18 =	sld [smem:$0x3FD0];
	(tm) =	ssettm $0x1  }
0x92: {  	s4 =	sld [smem:$0x3FFB];
	_ =	sdelay $0x3  }
0x93: {  	_ =	strace s4  }
0x94: {  	s4 =	sld [smem:$0x3FFC];
	_ =	sdelay $0x3  }
0x95: {  	_ =	strace s4  }
0x96: {  	s4 =	sld [smem:$0x3FFD];
	_ =	sdelay $0x3  }
0x97: {  	_ =	strace s4  }
0x98: {  	_ =	strace $0x8FFFFFFF  }
0x99: {  	s19 =	sld [smem:$0x3FDB];
	_ =	sdelay $0x1  }
0x9a: {  	s5 =	simm.s32 $_scs_section_size  }
0x9b: {  	s6 =	simm.s32 $_size__tile_overlayer_lowered;
	s7 =	simm.s32 $_tile_overlayer_lowered  }
0x9c: {  	s22 =	simm.s32 $0x1BFF;
	s21 =	sshll.u32 s7, $0x1;
	s4 =	sadd.s32 s5, s19  }
0x9d: {  	s8 =	simm.s32 $0x0;
	s20 =	sshll.u32 s6, $0x1;
	s6 =	sadd.s32 s21, s4  }
0x9e: {  	[timem:s8], [sflag:s22] =	dma.local [hbm:s6], s20  }
0x9f: {  	_ =	swait.ge [sflag:s22], s20  }
0xa0: {  	s5 =	ssub.s32 $0x0, s20;
	[sflag:s22] =	ssyncset.done $0x0  }
0xa1: {  	[sflag:s22] =	ssyncadd.s32 s5;
	_ =	sdelay $0x1  }
0xa2: {  	s23 =	simm.s32 $0x1B8B  }
0xa3: {  	_ =	swait.ge [sflag:s23], $0x1  }
0xa4: {  	[sflag:s23] =	ssyncset.done $0x0  }
0xa5: {  	s25 =	simm.s32 $0x1B8E;
	s24 =	sld [smem:$0x3FFE];
	[sflag:s23] =	ssyncadd.s32 $0xFFFFFFFF  }
0xa6: {  	s26 =	simm.s32 $execute0_lowered;
	[smem:$0x3FD2] =	sst s25  }
0xa7: {  	s6 =	sshll.u32 s26, $0x1;
	_ =	strace $0x80000046;
	[dreg:$0x1] =	wrdreg $0xFFFFFFFF  }
0xa8: {  	s28 =	simm.s32 $_size_execute0_lowered;
	s4 =	sadd.s32 s4, s6;
	[dreg:$0x0] =	wrdreg $0x0  }
0xa9: {  	s6 =	sshll.u32 s28, $0x1;
	[dreg:$0x2] =	wrdreg s4  }
0xaa: {  	[dreg:$0x3] =	wrdreg s6  }
0xab: {  	[dreg:$0x4] =	wrdreg $0xC0  }
0xac: {  	_ =	task [dreg:s8], $0x5FFFF  }
0xad: {  	[dreg:$0x1] =	wrdreg $0xFFFFFFFF  }
0xae: {  	[dreg:$0x0] =	wrdreg $0x60  }
0xaf: {  	[dreg:$0x2] =	wrdreg s2  }
0xb0: {  	[dreg:$0x3] =	wrdreg s18  }
0xb1: {  	[dreg:$0x4] =	wrdreg s24  }
0xb2: {  	[dreg:$0x5] =	wrdreg $0x9  }
0xb3: {  	_ =	task.clear_ibuf [dreg:s8], $0x6FFFF;
	_ =	strace $0x90000046  }
0xb4: {  	s29 =	simm.s32 $0x9;
	_ =	strace $0x80000048  }
0xb5: {  	_ =	swait.ge [sflag:s29], $0x1  }
0xb6: {  	[sflag:s29] =	ssyncadd.s32 $0xFFFFFFFF  }
0xb7: {  	_ =	strace $0x90000048  }
0xb8: {  	_ =	sfence  }
0xb9: {  	s30 =	sld [smem:$0x0];
	_ =	sdelay $0x2  }
0xba: {  	s31 =	sshll.u32 s1, $0xD;
	s1 =	sshrl.u32 s1, $0x2  }
0xbb: {  	s3 =	sand.u32 $0x4000, s31;
	s1 =	sadd.s32 s1, s30  }
0xbc: {  	s0 =	sor.u32 s3, s0;
	s1 =	sshll.u32 s1, $0x11  }
0xbd: {  	s0 =	sor.u32 s1, s0  }
0xbe: {  	s0 =	sadd.s32 $0x8F2B, s0  }
0xbf: {  	[sflag:s0] =	ssyncadd.remote.s32 $0x1  }
0xc0: {  	_ =	sfence.sel $0xFFFF  }
0xc1: {  	[dreg:$0x0] =	wrdreg $0xFFFFFFFF;
	(pc) =	sbr.abs _section_cstart, $3  }
0xc2: {  	[dreg:$0x1] =	wrdreg $0xFFFFFFFF  }
0xc3: {  	_ =	task.clear_ibuf [dreg:s8], $0x2FFFF;
	_ =	strace $0x9FFFFFFF  }
0xc4: {  	(tm) =	ssettm $0x7FFFFFFF  }
0xc5: {  	_ =	shalt  }
tec
execute0_lowered:
.L_overlay_start_1:
0x0: {  	(tag) =	ssettag $0x1  }
0x1: {  	s1 =	rddreg [dreg:$0x0]  }
0x2: {  	s2 =	rddreg [dreg:$0x1]  }
0x3: {  	s4 =	rddreg [dreg:$0x2]  }
0x4: {  	s0 =	rddreg [dreg:$0x3];
	s5 =	srdreg.scid;
	_ =	strace $0x80000047  }
0x5: {  	s3 =	stileid.u32;
	s12 =	simm.s32 $0x80;
	s13 =	simm.s32 $0x6C80  }
0x6: {  	s14 =	simm.s32 $0x4D00;
	s15 =	simm.s32 $0xAC80;
	s16 =	simm.s32 $0x0  }
0x7: {  	s5 =	sand.u32 $0x1, s5;
	s7 =	sshll.u32 s3, $0x1;
	s8 =	smul.u32 $0x1870, s3  }
.Ltmp0:
0x8: {  	s4 =	sadd.s32 $0xE00, s4;
	s6 =	ssub.s32 $0x2, s5;
	(pc) =	sbr.rel .LBB2_1-.Ltmp0, $4  }
0x9: {  	s7 =	sor.u32 s5, s7;
	s10 =	smul.u32 $0xC38, s5;
	s9 =	sshrl.u32 s6, $0x1  }
0xa: {  	s11 =	smul.u32 $0xC38, s7;
	s7 =	simm.s32 $0x0;
	s31 =	ssub.s32 s6, s9  }
0xb: {  	v1 =	vimm.s32 $0x0;
	vm0 =	vcmask $0x300;
	v2 =	vimm.s32 $0xFFFFFFFF;
	s6 =	sadd.s32 s10, s8;
	s8 =	simm.s32 $0x5;
	s9 =	simm.s32 $0x4000  }
0xc: {  	v3 =	vlaneseq.u32;
	v4 =	vsel vm0, $0xFFFFFFFF, v1;
	s10 =	simm.s32 $0x4C80;
	s5 =	smax.u32 s31, $0x1;
	v0 =	vmov s11;
	s11 =	simm.s32 $0x5C80  }
.LBB2_15:
0xd: {  	[bflag:$0x0] =	sbarrier.arrive $0xFFFF  }
.LBB2_16:
0xe: {  	s16 =	sadd.s32 $0x1, s16  }
0xf: {  	p0 =	sne.s32 s16, s5  }
.Ltmp1:
0x10: {  	_ = 	snop;
	(pc) =	sbr.rel @!p0 .LBB2_17-.Ltmp1, $1  }
0x11: {  	_ =	sdelay $0x3  }
.LBB2_1:
0x12: {  	[tilespmem:s7], [sflag:$0x5] =	stream.linear.gather [hbm4b:s1+s7], $0x4000, $0x38;
	[tilespmem:$0xEC80] =	vst v63  }
0x13: {  	_ =	swait.ge [sflag:s8], $0x4000  }
0x14: {  	[sflag:s8] =	ssyncset.done $0x0  }
0x15: {  	s17 =	simm.s32 $0x0;
	[sflag:s8] =	ssyncadd.s32 $0xFFFFC000  }
.LBB2_2:
0x16: {  	p0 =	sne.s32 s17, $0x30C0  }
.Ltmp2:
0x17: {  	_ = 	snop;
	(pc) =	sbr.rel @p0 .LBB2_2-.Ltmp2, $3  }
0x18: {  	_ =	sdelay $0x1  }
0x19: {  	s18 =	sshra.s32 s17, $0x2  }
0x1a: {  	s17 =	sadd.s32 $0x40, s17;
	[tilespmem:s18+$0x4000] =	vst v2  }
0x1b: {  	s17 =	simm.s32 $0xFFFFFFFC;
	s18 =	simm.s32 $0x0;
	s19 =	simm.s32 $0x20  }
.LBB2_4:
0x1c: {  	v5 =	vld [tilespmem:s19+$0xFFFFFFE0];
	_ =	sdelay $0x4  }
0x1d: {  	v5 =	vsub.s32 v5, v0  }
0x1e: {  	vm0 =	vlt.u32 v5, $0xC38;
	_ =	sdelay $0x4  }
0x1f: {  	v6 =	vor.u32 s18, v3  }
0x20: {  	[tilespmem:v5+s9+$0x0] =	vst.idx.msk vm0, v6  }
0x21: {  	v5 =	vld [tilespmem:s19+$0xFFFFFFF0];
	_ =	sdelay $0x4  }
0x22: {  	v5 =	vsub.s32 v5, v0  }
0x23: {  	vm13 =	vlt.u32 v5, $0xC38;
	_ =	sdelay $0x3  }
0x24: {  	s20 =	sadd.s32 $0x10, s18  }
0x25: {  	v6 =	vor.u32 s20, v3  }
0x26: {  	[tilespmem:v5+s9+$0x0] =	vst.idx.msk vm13, v6  }
0x27: {  	v5 =	vld [tilespmem:s19+$0x0];
	_ =	sdelay $0x4  }
0x28: {  	v5 =	vsub.s32 v5, v0  }
0x29: {  	vm14 =	vlt.u32 v5, $0xC38;
	_ =	sdelay $0x3  }
0x2a: {  	s30 =	sadd.s32 $0x20, s18  }
0x2b: {  	v6 =	vor.u32 s30, v3  }
0x2c: {  	[tilespmem:v5+s9+$0x0] =	vst.idx.msk vm14, v6  }
0x2d: {  	v5 =	vld [tilespmem:s19+$0x10];
	_ =	sdelay $0x4  }
0x2e: {  	v5 =	vsub.s32 v5, v0  }
0x2f: {  	s17 =	sadd.s32 $0x4, s17;
	vm15 =	vlt.u32 v5, $0xC38  }
0x30: {  	p0 =	slt.u32 s17, $0x3FC  }
.Ltmp3:
0x31: {  	_ = 	snop;
	(pc) =	sbr.rel @p0 .LBB2_4-.Ltmp3, $4  }
0x32: {  	_ = 	snop  }
0x33: {  	s31 =	sadd.s32 $0x30, s18  }
0x34: {  	v6 =	vor.u32 s31, v3  }
0x35: {  	s18 =	sadd.s32 $0x40, s18;
	s19 =	sadd.s32 $0x40, s19;
	[tilespmem:v5+s9+$0x0] =	vst.idx.msk vm15, v6  }
0x36: {  	[bflag:$0x0] =	sbarrier.arrive $0xFFFF;
	s17 =	simm.s32 $0x0  }
0x37: {  	v5 =	vld [tilespmem:s17+$0x4000];
	_ =	sdelay $0x4  }
0x38: {  	vm0 =	vgt.s32 v5, $0xFFFFFFFF  }
0x39: {  	v6 =	vsel vm0, $0x1, v1  }
0x3a: {  	(xrf0) =	vadd.scan.msk.s32 $0xffff, v6;
	_ =	sdelay $0x1  }
0x3b: {  	s30 =	simm.s32 $0x0  }
0x3c: {  	v6 =	vmov s30  }
0x3d: {  	v6 =	vadd.s32 $0xFFFFFFFF, v6  }
0x3e: {  	v6 =	vbroadcast v6, $0x0  }
0x3f: {  	v7, _, _ =	vpop (xrf0)  }
0x40: {  	v6 =	vadd.s32 v7, v6;
	(v2sf) =	vpush v7, $0xF  }
0x41: {  	v7 =	vshra.s32 v6, $0x1F  }
0x42: {  	v7 =	vshrl.u32 v7, $0x19  }
0x43: {  	v7 =	vadd.s32 v7, v6  }
0x44: {  	v7 =	vshra.s32 v7, $0x7  }
0x45: {  	v8 =	vshll.u32 v7, $0x7  }
0x46: {  	vm1 =	vlt.s32 v6, $0x1;
	vm2 =	vne.s32 v6, v8  }
0x47: {  	vm1 =	vmand vm1, vm2  }
0x48: {  	v63 =	vsel vm1, $0xFFFFFFFF, v1  }
0x49: {  	v7 =	vadd.s32 v63, v7  }
0x4a: {  	v6 =	vand.u32 $0x7F, v6;
	v7 =	vshll.u32 v7, $0x7  }
0x4b: {  	v6 =	vor.u32 v6, v7;
	_ =	sdelay $0x3  }
0x4c: {  	s31 =	spop (v2sf)  }
0x4d: {  	v7 =	vadd.s32 s6, v3;
	[tilespmem:v6+s10+$0x0] =	vst.idx.msk vm0, v5;
	s17 =	sadd.s32 $0x0, s31  }
0x4e: {  	s20 =	simm.s32 $0x10;
	s19 =	simm.s32 $0x80;
	s18 =	smov.u32 s6;
	v5 =	vmov s17;
	[tilespmem:v6+s11+$0x0] =	vst.idx.msk vm0, v7  }
.LBB2_6:
0x4f: {  	p0 =	sne.s32 s19, $0x30C0;
	v6 =	vld [tilespmem:s20+$0x4000];
	v5 =	vadd.s32 $0xFFFFFFFF, v5  }
0x50: {  	v5 =	vbroadcast v5, $0x0;
	_ =	sdelay $0x3  }
0x51: {  	vm0 =	vgt.s32 v6, $0xFFFFFFFF  }
0x52: {  	v7 =	vsel vm0, $0x1, v1  }
0x53: {  	(xrf0) =	vadd.scan.msk.s32 $0xffff, v7;
	_ =	sdelay $0x5  }
0x54: {  	v7, _, _ =	vpop (xrf0)  }
0x55: {  	v5 =	vadd.s32 v7, v5;
	(v2sf) =	vpush v7, $0xF  }
0x56: {  	v7 =	vshra.s32 v5, $0x1F;
	vm1 =	vlt.s32 v5, $0x1;
	v8 =	vand.u32 $0x7F, v5  }
0x57: {  	v7 =	vshrl.u32 v7, $0x19  }
0x58: {  	v7 =	vadd.s32 v7, v5  }
0x59: {  	v7 =	vshra.s32 v7, $0x7  }
0x5a: {  	v9 =	vshll.u32 v7, $0x7  }
0x5b: {  	vm2 =	vne.s32 v5, v9  }
0x5c: {  	vm1 =	vmand vm1, vm2  }
0x5d: {  	v5 =	vsel vm1, $0xFFFFFFFF, v1  }
0x5e: {  	v5 =	vadd.s32 v5, v7  }
0x5f: {  	v5 =	vshll.u32 v5, $0x7  }
0x60: {  	v7 =	vor.u32 v8, v5;
	_ =	sdelay $0x1  }
.Ltmp4:
0x61: {  	(pc) =	sbr.rel @p0 .LBB2_6-.Ltmp4, $4  }
0x62: {  	_ = 	snop  }
0x63: {  	s18 =	sadd.s32 $0x10, s18;
	s20 =	spop (v2sf)  }
0x64: {  	v8 =	vadd.s32 s18, v3;
	[tilespmem:v7+s10+$0x0] =	vst.idx.msk vm0, v6;
	s17 =	sadd.s32 s17, s20  }
0x65: {  	s20 =	sshra.s32 s19, $0x2;
	s19 =	sadd.s32 $0x40, s19;
	v5 =	vmov s17;
	[tilespmem:v7+s11+$0x0] =	vst.idx.msk vm0, v8  }
0x66: {  	v6 =	vld [tilespmem:s20+$0x4000];
	_ =	sdelay $0x4  }
0x67: {  	vm0 =	vgt.s32 v6, $0xFFFFFFFF  }
0x68: {  	v7 =	vsel vm0, $0x1, v1  }
0x69: {  	(xrf0) =	vadd.scan.msk.s32 $0xffff, v7;
	_ =	sdelay $0x5  }
0x6a: {  	v7, _, _ =	vpop (xrf0)  }
0x6b: {  	v5 =	vadd.s32 $0xFFFFFFFF, v5;
	(v2sf) =	vpush v7, $0xF  }
0x6c: {  	v5 =	vbroadcast v5, $0x0;
	_ =	sdelay $0x1  }
0x6d: {  	v5 =	vadd.s32 v7, v5  }
0x6e: {  	v7 =	vshra.s32 v5, $0x1F  }
0x6f: {  	v7 =	vshrl.u32 v7, $0x19  }
0x70: {  	v7 =	vadd.s32 v7, v5  }
0x71: {  	v7 =	vshra.s32 v7, $0x7  }
0x72: {  	v8 =	vshll.u32 v7, $0x7  }
0x73: {  	vm1 =	vlt.s32 v5, $0x1;
	vm2 =	vne.s32 v5, v8  }
0x74: {  	vm1 =	vmand vm1, vm2  }
0x75: {  	v63 =	vsel vm1, $0xFFFFFFFF, v1  }
0x76: {  	v7 =	vadd.s32 v63, v7  }
0x77: {  	v5 =	vand.u32 $0x7F, v5;
	v7 =	vshll.u32 v7, $0x7  }
0x78: {  	v5 =	vor.u32 v5, v7  }
0x79: {  	s18 =	sadd.s32 $0x10, s18;
	s19 =	spop (v2sf)  }
0x7a: {  	v7 =	vadd.s32 s18, v3;
	s18 =	sadd.s32 s17, s19  }
0x7b: {  	p0 =	slt.s32 s18, $0x1  }
.Ltmp5:
0x7c: {  	_ = 	snop;
	(pc) =	sbr.rel @p0 .LBB2_15-.Ltmp5, $3  }
0x7d: {  	[tilespmem:v5+s10+$0x0] =	vst.idx.msk vm0, v6  }
0x7e: {  	[tilespmem:v5+s11+$0x0] =	vst.idx.msk vm0, v7  }
0x7f: {  	[bflag:$0x0] =	sbarrier.arrive $0xFFFF;
	_ =	sdelay $0x1  }
0x80: {  	v5 =	vld [tilespmem:$0x4C80];
	_ =	sdelay $0x1  }
0x81: {  	s17 =	sadd.s32 $0x0, s18;
	s19 =	sadd.s32 $0x7F, s18  }
0x82: {  	v6 =	vld [tilespmem:$0x5C80];
	v7 =	vadd.s32 s17, v3;
	s28 =	sand.u32 $0x7F, s19  }
0x83: {  	s20 =	sshra.s32 s19, $0x1F;
	p0 =	slt.s32 s19, $0x1;
	v8 =	vshra.s32 v7, $0x1F;
	p1 =	sne.s32 s28, $0x0  }
0x84: {  	s29 =	sshrl.u32 s20, $0x19;
	v8 =	vshrl.u32 v8, $0x19;
	p0 =	por !p0, !p1;
	v5 =	vand.u32 v4, v5  }
0x85: {  	s17 =	sadd.s32 s29, s19;
	s19 =	simm.s32 $0x1;
	v8 =	vadd.s32 v8, v7;
	p0 =	por !p0, !p0;
	(xrf0) =	vadd.scan.msk.s32 $0xffff, v5  }
0x86: {  	s30 =	sadd.s32 $0x10, s18;
	s17 =	sshra.s32 s17, $0x7;
	v8 =	vshra.s32 v8, $0x7;
	s19 =	simm.s32 @!p0 $0x0  }
0x87: {  	v12 =	vadd.s32 s30, v3;
	v5 =	vand.u32 v4, v6;
	v6 =	vshll.u32 v8, $0x7;
	s17 =	ssub.s32 s17, s19  }
0x88: {  	vm0 =	vlt.s32 v7, $0x1;
	vm1 =	vne.s32 v7, v6;
	s19 =	sshll.u32 s17, $0x7;
	v6 =	vshra.s32 v12, $0x1F  }
0x89: {  	(xrf0) =	vadd.scan.msk.s32 $0xffff, v5;
	vm0 =	vmand vm0, vm1;
	v5 =	vmov s19;
	v6 =	vshrl.u32 v6, $0x19  }
0x8a: {  	v9 =	vsel vm0, $0xFFFFFFFF, v1;
	v6 =	vadd.s32 v6, v12;
	vm2 =	vlt.s32 v7, v5  }
0x8b: {  	v8 =	vadd.s32 v9, v8;
	v9 =	vand.u32 $0x7F, v7;
	v11 =	vshra.s32 v6, $0x7;
	v10, _, _ =	vpop (xrf0)  }
0x8c: {  	v7 =	vshll.u32 v8, $0x7;
	v6 =	vbroadcast v10, $0xF;
	v10 =	vshll.u32 v11, $0x7  }
0x8d: {  	s31 =	sadd.s32 $0x20, s18;
	vm0 =	vlt.s32 v12, $0x1;
	v8 =	vor.u32 v9, v7;
	vm1 =	vne.s32 v12, v10  }
0x8e: {  	v9 =	vadd.s32 s31, v3;
	vm1 =	vmand vm0, vm1;
	vm0 =	vmmov vm2  }
0x8f: {  	v7, _, _ =	vpop (xrf0);
	v10 =	vshra.s32 v9, $0x1F  }
0x90: {  	v7 =	vbroadcast v7, $0xF;
	v10 =	vshrl.u32 v10, $0x19;
	v13 =	vsel vm1, $0xFFFFFFFF, v1  }
0x91: {  	v10 =	vadd.s32 v10, v9;
	vm1 =	vlt.s32 v12, v5;
	v13 =	vadd.s32 v13, v11  }
0x92: {  	s20 =	simm.s32 $0x30;
	s19 =	simm.s32 $0x40;
	v11 =	vand.u32 $0x7F, v12;
	v10 =	vshra.s32 v10, $0x7;
	[tilespmem:v8+s10+$0x0] =	vst.idx.msk vm2, v6;
	v12 =	vshll.u32 v13, $0x7  }
.LBB2_9:
0x93: {  	p0 =	sne.s32 s19, $0x70  }
0x94: {  	s21 =	sadd.s32 s20, s18;
	v13 =	vshll.u32 v10, $0x7;
	[tilespmem:v8+s11+$0x0] =	vst.idx.msk vm0, v7;
	v8 =	vor.u32 v11, v12;
	vm0 =	vmmov vm1;
	s20 =	smov.u32 s19;
	s19 =	sadd.s32 $0x10, s19  }
.Ltmp6:
0x95: {  	vm2 =	vlt.s32 v9, $0x1;
	v14 =	vadd.s32 s21, v3;
	vm3 =	vne.s32 v9, v13;
	(pc) =	sbr.rel @p0 .LBB2_9-.Ltmp6, $4  }
0x96: {  	v11 =	vshra.s32 v14, $0x1F;
	vm2 =	vmand vm2, vm3  }
0x97: {  	v11 =	vshrl.u32 v11, $0x19;
	v12 =	vsel vm2, $0xFFFFFFFF, v1  }
0x98: {  	v13 =	vadd.s32 v11, v14;
	v12 =	vadd.s32 v12, v10;
	v11 =	vand.u32 $0x7F, v9  }
0x99: {  	v10 =	vshra.s32 v13, $0x7;
	v12 =	vshll.u32 v12, $0x7;
	[tilespmem:v8+s10+$0x0] =	vst.idx.msk vm1, v6;
	vm1 =	vlt.s32 v9, v5;
	v9 =	vmovc v14  }
0x9a: {  	s18 =	sadd.s32 s20, s18  }
0x9b: {  	v13 =	vadd.s32 s18, v3  }
0x9c: {  	v14 =	vshra.s32 v13, $0x1F  }
0x9d: {  	v14 =	vshrl.u32 v14, $0x19  }
0x9e: {  	v15 =	vshll.u32 v10, $0x7;
	v14 =	vadd.s32 v14, v13  }
0x9f: {  	vm2 =	vlt.s32 v9, $0x1;
	vm3 =	vne.s32 v9, v15;
	v14 =	vshra.s32 v14, $0x7  }
0xa0: {  	v11 =	vor.u32 v11, v12;
	vm2 =	vmand vm2, vm3;
	v59 =	vshll.u32 v14, $0x7  }
0xa1: {  	vm11 =	vlt.s32 v13, $0x1;
	v58 =	vsel vm2, $0xFFFFFFFF, v1;
	vm12 =	vne.s32 v13, v59  }
0xa2: {  	v61 =	vand.u32 $0x7F, v9;
	v60 =	vadd.s32 v58, v10;
	vm2 =	vmand vm11, vm12  }
0xa3: {  	vm13 =	vlt.s32 v9, v5;
	v62 =	vshll.u32 v60, $0x7;
	v63 =	vsel vm2, $0xFFFFFFFF, v1  }
0xa4: {  	v9 =	vor.u32 v61, v62;
	v10 =	vadd.s32 v63, v14  }
0xa5: {  	vm5 =	vlt.s32 v13, v5;
	v5 =	vand.u32 $0x7F, v13;
	v10 =	vshll.u32 v10, $0x7  }
0xa6: {  	[tilespmem:v8+s11+$0x0] =	vst.idx.msk vm0, v7;
	v5 =	vor.u32 v5, v10  }
0xa7: {  	[tilespmem:v11+s10+$0x0] =	vst.idx.msk vm1, v6  }
0xa8: {  	[tilespmem:v11+s11+$0x0] =	vst.idx.msk vm1, v7  }
0xa9: {  	[tilespmem:v9+s10+$0x0] =	vst.idx.msk vm13, v6  }
0xaa: {  	[tilespmem:v9+s11+$0x0] =	vst.idx.msk vm13, v7  }
0xab: {  	[tilespmem:v5+s10+$0x0] =	vst.idx.msk vm5, v6  }
0xac: {  	p0 =	slt.s32 s17, $0x1;
	[tilespmem:v5+s11+$0x0] =	vst.idx.msk vm5, v7  }
0xad: {  	s18 =	simm.s32 @!p0 $0x1;
	[bflag:$0x0] =	sbarrier.arrive $0xFFFF  }
0xae: {  	[tilespmem:s13], [sflag:$0x1] =	stream.indirect.gather [hbm4b:s2+s12], $0x80, s10, s12, $0xb8;
	[tilespmem:$0xEC80] =	vst v63  }
0xaf: {  	_ =	swait.ge @!p0 [sflag:s18], $0x4000  }
0xb0: {  	s19 =	simm.s32 @!p0 $0x5C80;
	s20 =	simm.s32 @!p0 $0x6C80;
	[sflag:s18] =	ssyncset.done @!p0 $0x0  }
0xb1: {  	p1 =	seq.s32 @!p0 s17, $0x1;
	[sflag:s18] =	ssyncadd.s32 @!p0 $0xFFFFC000;
	s18 =	simm.s32 @!p0 $0x80  }
0xb2: {  	[hbm4b:s4+s18] =	stream.indirect.scatter @!p0 [tilespmem:s20], [sflag:$0x3], $0x80, s19, s18, $0xb8;
	[tilespmem:$0xEC80] =	vst v63  }
0xb3: {  	p0 =	por p0, p1  }
.Ltmp7:
0xb4: {  	_ = 	snop;
	(pc) =	sbr.rel @p0 .LBB2_14-.Ltmp7, $2  }
0xb5: {  	_ =	sdelay $0x2  }
0xb6: {  	vm4 =	vmmov vm1;
	vm14 =	vmmov vm13;
	vm15 =	vmmov vm5  }
0xb7: {  	[tilespmem:s15], [sflag:$0x2] =	stream.indirect.gather [hbm4b:s2+s12], $0x80, s14, s12, $0xb8;
	[tilespmem:$0xEC80] =	vst v63  }
0xb8: {  	s19 =	simm.s32 $0x1;
	s18 =	simm.s32 $0x4D80  }
0xb9: {  	s20 =	simm.s32 $0x5D00;
	p0 =	sle.s32 s17, $0x2;
	s21 =	sand.u32 $0x1, s19  }
0xba: {  	p1 =	sne.s32 s17, $0x2;
	s19 =	simm.s32 $0x2;
	s22 =	sadd.s32 $0x1, s21  }
0xbb: {  	s23 =	sxor.u32 @!p0 $0x1, s21;
	s24 =	sshll.u32 s21, $0xE;
	_ =	swait.ge [sflag:s22], $0x4000  }
0xbc: {  	s21 =	sadd.s32 $0x3, s21;
	s25 =	sadd.s32 @!p0 $0x3, s23;
	[sflag:s22] =	ssyncset.done $0x0  }
.Ltmp8:
0xbd: {  	s31 =	sadd.s32 $0x6C80, s24;
	[sflag:s22] =	ssyncadd.s32 $0xFFFFC000;
	(pc) =	sbr.rel @!p1 .LBB2_13-.Ltmp8, $4  }
0xbe: {  	[hbm4b:s4+s12] =	stream.indirect.scatter [tilespmem:s31], [sflag:s21], $0x80, s20, s12, $0xb8;
	[tilespmem:$0xEC80] =	vst v63  }
0xbf: {  	s24 =	simm.s32 @!p0 $0x80;
	s22 =	sadd.s32 @!p0 $0x1, s23;
	_ =	swait.ge @!p0 [sflag:s25], $0x4000  }
0xc0: {  	s20 =	sshll.u32 @!p0 s23, $0xE;
	s21 =	simm.s32 $0x4E00;
	[sflag:s25] =	ssyncset.done @!p0 $0x0  }
0xc1: {  	s23 =	sadd.s32 @!p0 $0x6C80, s20;
	s20 =	simm.s32 $0x5D80;
	[sflag:s25] =	ssyncadd.s32 @!p0 $0xFFFFC000  }
.LBB2_12:
0xc2: {  	[tilespmem:s23], [sflag:s22] =	stream.indirect.gather @!p0 [hbm4b:s2+s24], $0x80, s18, s24, $0xb8;
	[tilespmem:$0xEC80] =	vst v63  }
0xc3: {  	s22 =	smov.u32 s19  }
0xc4: {  	s19 =	sadd.s32 $0x1, s19;
	s18 =	smov.u32 s21;
	s24 =	sand.u32 $0x1, s22  }
0xc5: {  	p0 =	sge.s32 s19, s17;
	p1 =	sne.s32 s17, s19;
	s25 =	sadd.s32 $0x1, s24  }
0xc6: {  	s26 =	sshll.u32 s24, $0xE;
	s23 =	sxor.u32 @!p0 $0x1, s24;
	s24 =	sadd.s32 $0x3, s24  }
0xc7: {  	s28 =	sshll.u32 @!p0 s23, $0xE;
	s22 =	sadd.s32 @!p0 $0x1, s23;
	_ =	swait.ge [sflag:s25], $0x4000  }
0xc8: {  	s29 =	sadd.s32 @!p0 $0x3, s23;
	s23 =	sadd.s32 @!p0 $0x6C80, s28;
	[sflag:s25] =	ssyncset.done $0x0  }
.Ltmp9:
0xc9: {  	[sflag:s25] =	ssyncadd.s32 $0xFFFFC000;
	s25 =	sadd.s32 $0x6C80, s26;
	(pc) =	sbr.rel @p1 .LBB2_12-.Ltmp9, $4  }
0xca: {  	[hbm4b:s4+s12] =	stream.indirect.scatter [tilespmem:s25], [sflag:s24], $0x80, s20, s12, $0xb8;
	[tilespmem:$0xEC80] =	vst v63  }
0xcb: {  	_ =	swait.ge @!p0 [sflag:s29], $0x4000  }
0xcc: {  	s20 =	sadd.s32 $0x80, s20;
	[sflag:s29] =	ssyncset.done @!p0 $0x0  }
0xcd: {  	s21 =	sadd.s32 $0x80, s21;
	s24 =	simm.s32 @!p0 $0x80;
	[sflag:s29] =	ssyncadd.s32 @!p0 $0xFFFFC000  }
.LBB2_13:
0xce: {  	[tilespmem:s23], [sflag:s22] =	stream.indirect.gather @!p0 [hbm4b:s2+s24], $0x80, s18, s24, $0xb8;
	[tilespmem:$0xEC80] =	vst v63  }
0xcf: {  	s31 =	sand.u32 $0x1, s17  }
0xd0: {  	s18 =	sadd.s32 $0x3, s31  }
0xd1: {  	_ =	swait.ge [sflag:s18], $0x4000  }
0xd2: {  	[sflag:s18] =	ssyncset.done $0x0  }
0xd3: {  	[sflag:s18] =	ssyncadd.s32 $0xFFFFC000  }
.LBB2_14:
0xd4: {  	s17 =	sadd.s32 $0xFFFFFFFF, s17  }
0xd5: {  	s18 =	sshrl.u32 s17, $0x1F  }
0xd6: {  	s18 =	sadd.s32 s18, s17  }
0xd7: {  	s18 =	sand.u32 $0xFFFFFFFE, s18  }
.Ltmp10:
0xd8: {  	s17 =	ssub.s32 s17, s18;
	(pc) =	sbr.rel .LBB2_16-.Ltmp10, $4  }
0xd9: {  	s17 =	sadd.s32 $0x3, s17  }
0xda: {  	_ =	swait.ge [sflag:s17], $0x4000  }
0xdb: {  	[sflag:s17] =	ssyncset.done $0x0  }
0xdc: {  	[sflag:s17] =	ssyncadd.s32 $0xFFFFC000  }
.LBB2_17:
0xdd: {  	_ =	sfence.sel $0x180000  }
0xde: {  	[bflag:$0x0] =	sbarrier.arrive $0xFFFF  }
0xdf: {  	p0 =	sne.s32 s3, $0x0;
	_ =	strace $0x90000047  }
0xe0: {  	s0 =	sadd.s32 @!p0 $0x100000, s0;
	[bflag:$0x2] =	sbarrier.arrive $0xFFFF  }
0xe1: {  	[sflag:s0] =	ssyncadd.tile.s32 @!p0 $0x1;
	_ =	shalt  }
.Lfunc_end2:
_tile_overlayer_lowered:
.L_overlay_start_2:
0xe2: {  	(tag) =	ssettag $0x2  }
0xe3: {  	s0 =	rddreg [dreg:$0x0];
	s2 =	stileid.u32  }
0xe4: {  	s1 =	rddreg [dreg:$0x1];
	p0 =	sne.s32 s2, $0x0  }
0xe5: {  	s3 =	rddreg [dreg:$0x2];
	[bflag:$0x3] =	sbarrier.arrive $0xFFFF;
	s2 =	simm.s32 @!p0 $0x1C05  }
0xe6: {  	[timem:s3], [sflag:s2] =	dma.local @!p0 [hbm:s0], s1  }
0xe7: {  	s0 =	simm.s32 @!p0 $0x5  }
0xe8: {  	_ =	swait.ge @!p0 [sflag:s0], s1  }
0xe9: {  	s1 =	ssub.s32 @!p0 $0x0, s1;
	[sflag:s0] =	ssyncset.done @!p0 $0x0  }
0xea: {  	[sflag:s0] =	ssyncadd.s32 @!p0 s1  }
0xeb: {  	[bflag:$0x3] =	sbarrier.arrive $0xFFFF  }
0xec: {  	_ =	shalt  }

</sc_bundles>
